<compile_context>
chip_gen: v7x
topology: tpu7x:2x2x1
jax: 0.10.2.dev20260603
libtpu: 0.0.44.dev20260713+nightly
codegen_flags: <defaults>
</compile_context>

<pallas_src>
import functools

import jax
import jax.numpy as jnp
from jax import lax
from jax.experimental import pallas as pl
from jax.experimental.pallas import tpu as pltpu
from jax.experimental.pallas import tpu_sc as plsc

N_NODES = 10000
N_EDGES = 320000
NFEAT = 128
NCLASS = 40
DPAD = 64

NC = 2
NS = 16
CHUNK = 125
EDGES_PER_TILE = N_EDGES // (NC * NS)
N_CHUNKS = EDGES_PER_TILE // CHUNK
HALF = N_CHUNKS // 2
ROWS_PER_TILE = N_NODES // NS
ZCOPIES = ROWS_PER_TILE // CHUNK


def _make_spmm(D):
  mesh = plsc.VectorSubcoreMesh(core_axis_name="c", subcore_axis_name="s")
  params = pltpu.CompilerParams(use_tc_tiling_on_sc=False)

  @functools.partial(
      pl.kernel,
      out_type=jax.ShapeDtypeStruct((NC * N_NODES, D), jnp.float32),
      compiler_params=params,
      mesh=mesh,
      scratch_types=[
          pltpu.VMEM((HALF, CHUNK), jnp.int32),
          pltpu.VMEM((HALF, CHUNK), jnp.int32),
          pltpu.VMEM((CHUNK, D), jnp.float32),
          pltpu.VMEM((CHUNK, D), jnp.float32),
          pltpu.VMEM_SHARED((N_NODES, D), jnp.float32),
          pltpu.SemaphoreType.DMA,
          pltpu.SemaphoreType.DMA,
      ],
  )
  def spmm(table_hbm, ei_hbm, out_hbm, sidx, didx, r0, r1, acc, sem0, sem1):
    c = lax.axis_index("c")
    s = lax.axis_index("s")
    wid = c * NS + s

    zero16 = jnp.zeros((16,), jnp.float32)

    def zrow(i, carry):
      for j in range(D // 16):
        r0[i, pl.ds(j * 16, 16)] = zero16
      return carry

    lax.fori_loop(0, CHUNK, zrow, 0)
    for k in range(ZCOPIES):
      pltpu.sync_copy(r0, acc.at[pl.ds((s * ZCOPIES + k) * CHUNK, CHUNK)])

    def wait0():
      pltpu.make_async_copy(table_hbm.at[sidx.at[0]], r0, sem0).wait()

    def wait1():
      pltpu.make_async_copy(table_hbm.at[sidx.at[0]], r1, sem1).wait()

    for h in range(N_CHUNKS // HALF):
      base = wid * N_CHUNKS + h * HALF
      pltpu.sync_copy(ei_hbm.at[0, pl.ds(base, HALF)], sidx)
      pltpu.sync_copy(ei_hbm.at[1, pl.ds(base, HALF)], didx)
      pltpu.async_copy(table_hbm.at[sidx.at[0]], r0, sem0)
      pltpu.async_copy(table_hbm.at[sidx.at[1]], r1, sem1)
      if h == 0:
        plsc.subcore_barrier()

      def body(i, carry):
        j0 = 2 * i
        wait0()
        pltpu.sync_copy(r0, acc.at[didx.at[j0]], add=True)
        pltpu.async_copy(
            table_hbm.at[sidx.at[jnp.minimum(j0 + 2, HALF - 1)]], r0, sem0)
        wait1()
        pltpu.sync_copy(r1, acc.at[didx.at[j0 + 1]], add=True)
        pltpu.async_copy(
            table_hbm.at[sidx.at[jnp.minimum(j0 + 3, HALF - 1)]], r1, sem1)
        return carry

      lax.fori_loop(0, HALF // 2, body, 0)
      wait0()
      wait1()

    plsc.subcore_barrier()

    pltpu.sync_copy(
        acc.at[pl.ds(s * ROWS_PER_TILE, ROWS_PER_TILE)],
        out_hbm.at[pl.ds(c * N_NODES + s * ROWS_PER_TILE, ROWS_PER_TILE)])

  return spmm


def _make_spmm_ring4(D):
  mesh = plsc.VectorSubcoreMesh(core_axis_name="c", subcore_axis_name="s")
  params = pltpu.CompilerParams(use_tc_tiling_on_sc=False)

  @functools.partial(
      pl.kernel,
      out_type=jax.ShapeDtypeStruct((NC * N_NODES, D), jnp.float32),
      compiler_params=params,
      mesh=mesh,
      scratch_types=[
          pltpu.VMEM((N_CHUNKS, CHUNK), jnp.int32),
          pltpu.VMEM((N_CHUNKS, CHUNK), jnp.int32),
          [pltpu.VMEM((CHUNK, D), jnp.float32) for _ in range(4)],
          [pltpu.SemaphoreType.DMA for _ in range(4)],
          pltpu.VMEM_SHARED((N_NODES, D), jnp.float32),
      ],
  )
  def spmm(table_hbm, ei_hbm, out_hbm, sidx, didx, bufs, sems, acc):
    c = lax.axis_index("c")
    s = lax.axis_index("s")
    wid = c * NS + s

    zero16 = jnp.zeros((16,), jnp.float32)
    r0 = bufs[0]

    def zrow(i, carry):
      for j in range(D // 16):
        r0[i, pl.ds(j * 16, 16)] = zero16
      return carry

    lax.fori_loop(0, CHUNK, zrow, 0)
    for k in range(ZCOPIES):
      pltpu.sync_copy(r0, acc.at[pl.ds((s * ZCOPIES + k) * CHUNK, CHUNK)])

    base = wid * N_CHUNKS
    pltpu.sync_copy(ei_hbm.at[0, pl.ds(base, N_CHUNKS)], sidx)
    pltpu.sync_copy(ei_hbm.at[1, pl.ds(base, N_CHUNKS)], didx)
    for k in range(4):
      pltpu.async_copy(table_hbm.at[sidx.at[k]], bufs[k], sems[k])
    plsc.subcore_barrier()

    def waitk(k):
      pltpu.make_async_copy(table_hbm.at[sidx.at[0]], bufs[k], sems[k]).wait()

    def body(i, carry):
      j0 = 4 * i
      for k in range(4):
        waitk(k)
        pltpu.sync_copy(bufs[k], acc.at[didx.at[j0 + k]], add=True)
        pltpu.async_copy(
            table_hbm.at[sidx.at[jnp.minimum(j0 + 4 + k, N_CHUNKS - 1)]],
            bufs[k], sems[k])
      return carry

    lax.fori_loop(0, N_CHUNKS // 4, body, 0)
    for k in range(4):
      waitk(k)

    plsc.subcore_barrier()

    pltpu.sync_copy(
        acc.at[pl.ds(s * ROWS_PER_TILE, ROWS_PER_TILE)],
        out_hbm.at[pl.ds(c * N_NODES + s * ROWS_PER_TILE, ROWS_PER_TILE)])

  return spmm


_spmm128 = _make_spmm(NFEAT)
_spmm64 = _make_spmm_ring4(DPAD)


_BM = 2000
_NB = N_NODES // _BM


def _mid_body(q0_ref, q1_ref, w1_ref, w2_ref, g_ref):
  x = q0_ref[...] + q1_ref[...]
  h = jnp.maximum(
      jnp.dot(x, w1_ref[...], preferred_element_type=jnp.float32), 0.0)
  g_ref[...] = jnp.dot(h, w2_ref[...], preferred_element_type=jnp.float32)


def _mid(p, W1, W2p):
  return pl.pallas_call(
      _mid_body,
      grid=(_NB,),
      in_specs=[
          pl.BlockSpec((_BM, NFEAT), lambda i: (i, 0)),
          pl.BlockSpec((_BM, NFEAT), lambda i: (i + _NB, 0)),
          pl.BlockSpec((NFEAT, NFEAT), lambda i: (0, 0)),
          pl.BlockSpec((NFEAT, DPAD), lambda i: (0, 0)),
      ],
      out_specs=pl.BlockSpec((_BM, DPAD), lambda i: (i, 0)),
      out_shape=jax.ShapeDtypeStruct((N_NODES, DPAD), jnp.float32),
  )(p, p, W1, W2p)


def _fin_body(r0_ref, r1_ref, b2_ref, o_ref):
  y = r0_ref[...] + r1_ref[...] + b2_ref[...]
  col = lax.broadcasted_iota(jnp.int32, y.shape, 1)
  ym = jnp.where(col < NCLASS, y, -jnp.inf)
  m = jnp.max(ym, axis=1, keepdims=True)
  lse = jnp.log(jnp.sum(jnp.exp(ym - m), axis=1, keepdims=True)) + m
  o_ref[...] = (y - lse)[:, :NCLASS]


def _fin(r, b2p):
  return pl.pallas_call(
      _fin_body,
      grid=(_NB,),
      in_specs=[
          pl.BlockSpec((_BM, DPAD), lambda i: (i, 0)),
          pl.BlockSpec((_BM, DPAD), lambda i: (i + _NB, 0)),
          pl.BlockSpec((1, DPAD), lambda i: (0, 0)),
      ],
      out_specs=pl.BlockSpec((_BM, NCLASS), lambda i: (i, 0)),
      out_shape=jax.ShapeDtypeStruct((N_NODES, NCLASS), jnp.float32),
  )(r, r, b2p)


def kernel(features, edge_index, W1, W2, b2):
  ei = edge_index.reshape(2, N_EDGES // CHUNK, CHUNK)
  p = _spmm128(features, ei)
  W2p = jnp.pad(W2, ((0, 0), (0, DPAD - NCLASS)))
  g = _mid(p, W1, W2p)
  r = _spmm64(g, ei)
  b2p = jnp.pad(b2, (0, DPAD - NCLASS)).reshape(1, DPAD)
  return _fin(r, b2p)

# --- scband reference (transcript-rebuilt; emitter-appended) ---
"""Pipeline reference for scband-elgcn-55800215109648 (READ-ONLY COPY).

The authoritative reference and input builder live on the scoring server;
editing this copy changes nothing except your own understanding.
"""

import jax, jax.numpy as jnp
import numpy as np

N_NODES = 10000
N_EDGES = 320000
NFEAT = 128
NHID = 128
NCLASS = 40


def setup_inputs(seed: int = 0) -> dict:
    key = jax.random.key(seed)
    k1, k2, k3, k4 = jax.random.split(key, 4)
    features = jax.random.normal(k1, (N_NODES, NFEAT), dtype=jnp.float32)
    edge_index = jax.random.randint(k2, (2, N_EDGES), 0, N_NODES, dtype=jnp.int32)
    # W1 matches torch.rand(size=(nfeat, nhid)) -> uniform [0, 1)
    W1 = jax.random.uniform(k3, (NFEAT, NHID), dtype=jnp.float32)
    # fc2: nn.Linear(nhid, nclass)
    bound = 1.0 / np.sqrt(NHID)
    kW, kb = jax.random.split(k4)
    W2 = jax.random.uniform(kW, (NHID, NCLASS), dtype=jnp.float32, minval=-bound, maxval=bound)
    b2 = jax.random.uniform(kb, (NCLASS,), dtype=jnp.float32, minval=-bound, maxval=bound)
    return {"features": features, "edge_index": edge_index, "W1": W1, "W2": W2, "b2": b2}


def reference(features, edge_index, W1, W2, b2):
    # adjacency as COO edge list: edge e goes src -> dst, so
    # spmm(adj, x)[i] = sum_{e: dst[e]==i} x[src[e]]
    src = edge_index[0]
    dst = edge_index[1]
    x = jax.ops.segment_sum(jnp.take(features, src, axis=0), dst, num_segments=N_NODES)
    x = jax.nn.relu(jnp.matmul(x, W1))
    x = jax.ops.segment_sum(jnp.take(x, src, axis=0), dst, num_segments=N_NODES)
    x = jnp.matmul(x, W2) + b2
    return jax.nn.log_softmax(x, axis=1)

if __name__ == "__main__":
    import jax
    _d = setup_inputs()
    print(jax.jit(kernel)(*tuple(_d.values())))

</pallas_src>

<mosaic_0001>
#map = affine_map<(d0, d1) -> (0, 0)>
#map1 = affine_map<(d0, d1) -> (0, 0, 0)>
module attributes {stable_mosaic.version = 14 : i64} {
  func.func @spmm(%arg0: i32, %arg1: i32, %arg2: memref<10000x128xf32, #tpu.memory_space<hbm>>, %arg3: memref<2x2560x125xi32, #tpu.memory_space<hbm>>, %arg4: memref<20000x128xf32, #tpu.memory_space<hbm>>, %arg5: memref<40x125xi32, #tpu.memory_space<vmem>>, %arg6: memref<40x125xi32, #tpu.memory_space<vmem>>, %arg7: memref<125x128xf32, #tpu.memory_space<vmem>>, %arg8: memref<125x128xf32, #tpu.memory_space<vmem>>, %arg9: memref<10000x128xf32, #tpu.memory_space<vmem_shared>>, %arg10: memref<!tpu.dma_semaphore, #tpu.memory_space<semaphore_mem>>, %arg11: memref<!tpu.dma_semaphore, #tpu.memory_space<semaphore_mem>>) attributes {dimension_semantics = [#tpu.dimension_semantics<core_parallel>, #tpu.dimension_semantics<subcore_parallel>], iteration_bounds = array<i64: 2, 16>, scalar_prefetch = 0 : i64, scratch_operands = 7 : i64, tpu.core_type = #tpu.core_type<sc_vector_subcore>, window_params = [{transform_indices = #map}, {transform_indices = #map1}, {transform_indices = #map}]} {
    %mul3A = arith.constant 16 : i32
    %mul3A_0 = arith.muli %arg0, %mul3A : i32
    %add3A = arith.addi %mul3A_0, %arg1 : i32
    %broadcast_in_dim3A = arith.constant 0.000000e+00 : f32
    %broadcast_in_dim3A_1 = vector.broadcast %broadcast_in_dim3A : f32 to vector<16xf32>
    %scan3A = arith.constant 0 : i32
    %scan3A_2 = arith.constant 0 : i32
    %scan3A_3 = arith.constant 125 : i32
    %scan3A_4 = arith.addi %scan3A_2, %scan3A_3 : i32
    %scan3A_5 = arith.constant 1 : i32
    scf.for %scan3A_122 = %scan3A_2 to %scan3A_4 step %scan3A_5  : i32 {
      %swap3A = arith.index_cast %scan3A_122 : i32 to index
      %swap3A_123 = arith.constant 0 : index
      %swap3A_124 = tpu.vector_load %arg7[%swap3A, %swap3A_123] {strides = array<i32>} : memref<125x128xf32, #tpu.memory_space<vmem>>, vector<1x16xf32>,
      %swap3A_125 = vector.shape_cast %swap3A_124 : vector<1x16xf32> to vector<16xf32>
      %swap3A_126 = vector.shape_cast %broadcast_in_dim3A_1 : vector<16xf32> to vector<1x16xf32>
      tpu.vector_store %arg7[%swap3A, %swap3A_123], %swap3A_126 {strides = array<i32>} : memref<125x128xf32, #tpu.memory_space<vmem>>, vector<1x16xf32>,
      %swap3A_127 = arith.index_cast %scan3A_122 : i32 to index
      %swap3A_128 = arith.constant 16 : index
      %swap3A_129 = tpu.vector_load %arg7[%swap3A_127, %swap3A_128] {strides = array<i32>} : memref<125x128xf32, #tpu.memory_space<vmem>>, vector<1x16xf32>,
      %swap3A_130 = vector.shape_cast %swap3A_129 : vector<1x16xf32> to vector<16xf32>
      %swap3A_131 = vector.shape_cast %broadcast_in_dim3A_1 : vector<16xf32> to vector<1x16xf32>
      tpu.vector_store %arg7[%swap3A_127, %swap3A_128], %swap3A_131 {strides = array<i32>} : memref<125x128xf32, #tpu.memory_space<vmem>>, vector<1x16xf32>,
      %swap3A_132 = arith.index_cast %scan3A_122 : i32 to index
      %swap3A_133 = arith.constant 32 : index
      %swap3A_134 = tpu.vector_load %arg7[%swap3A_132, %swap3A_133] {strides = array<i32>} : memref<125x128xf32, #tpu.memory_space<vmem>>, vector<1x16xf32>,
      %swap3A_135 = vector.shape_cast %swap3A_134 : vector<1x16xf32> to vector<16xf32>
      %swap3A_136 = vector.shape_cast %broadcast_in_dim3A_1 : vector<16xf32> to vector<1x16xf32>
      tpu.vector_store %arg7[%swap3A_132, %swap3A_133], %swap3A_136 {strides = array<i32>} : memref<125x128xf32, #tpu.memory_space<vmem>>, vector<1x16xf32>,
      %swap3A_137 = arith.index_cast %scan3A_122 : i32 to index
      %swap3A_138 = arith.constant 48 : index
      %swap3A_139 = tpu.vector_load %arg7[%swap3A_137, %swap3A_138] {strides = array<i32>} : memref<125x128xf32, #tpu.memory_space<vmem>>, vector<1x16xf32>,
      %swap3A_140 = vector.shape_cast %swap3A_139 : vector<1x16xf32> to vector<16xf32>
      %swap3A_141 = vector.shape_cast %broadcast_in_dim3A_1 : vector<16xf32> to vector<1x16xf32>
      tpu.vector_store %arg7[%swap3A_137, %swap3A_138], %swap3A_141 {strides = array<i32>} : memref<125x128xf32, #tpu.memory_space<vmem>>, vector<1x16xf32>,
      %swap3A_142 = arith.index_cast %scan3A_122 : i32 to index
      %swap3A_143 = arith.constant 64 : index
      %swap3A_144 = tpu.vector_load %arg7[%swap3A_142, %swap3A_143] {strides = array<i32>} : memref<125x128xf32, #tpu.memory_space<vmem>>, vector<1x16xf32>,
      %swap3A_145 = vector.shape_cast %swap3A_144 : vector<1x16xf32> to vector<16xf32>
      %swap3A_146 = vector.shape_cast %broadcast_in_dim3A_1 : vector<16xf32> to vector<1x16xf32>
      tpu.vector_store %arg7[%swap3A_142, %swap3A_143], %swap3A_146 {strides = array<i32>} : memref<125x128xf32, #tpu.memory_space<vmem>>, vector<1x16xf32>,
      %swap3A_147 = arith.index_cast %scan3A_122 : i32 to index
      %swap3A_148 = arith.constant 80 : index
      %swap3A_149 = tpu.vector_load %arg7[%swap3A_147, %swap3A_148] {strides = array<i32>} : memref<125x128xf32, #tpu.memory_space<vmem>>, vector<1x16xf32>,
      %swap3A_150 = vector.shape_cast %swap3A_149 : vector<1x16xf32> to vector<16xf32>
      %swap3A_151 = vector.shape_cast %broadcast_in_dim3A_1 : vector<16xf32> to vector<1x16xf32>
      tpu.vector_store %arg7[%swap3A_147, %swap3A_148], %swap3A_151 {strides = array<i32>} : memref<125x128xf32, #tpu.memory_space<vmem>>, vector<1x16xf32>,
      %swap3A_152 = arith.index_cast %scan3A_122 : i32 to index
      %swap3A_153 = arith.constant 96 : index
      %swap3A_154 = tpu.vector_load %arg7[%swap3A_152, %swap3A_153] {strides = array<i32>} : memref<125x128xf32, #tpu.memory_space<vmem>>, vector<1x16xf32>,
      %swap3A_155 = vector.shape_cast %swap3A_154 : vector<1x16xf32> to vector<16xf32>
      %swap3A_156 = vector.shape_cast %broadcast_in_dim3A_1 : vector<16xf32> to vector<1x16xf32>
      tpu.vector_store %arg7[%swap3A_152, %swap3A_153], %swap3A_156 {strides = array<i32>} : memref<125x128xf32, #tpu.memory_space<vmem>>, vector<1x16xf32>,
      %swap3A_157 = arith.index_cast %scan3A_122 : i32 to index
      %swap3A_158 = arith.constant 112 : index
      %swap3A_159 = tpu.vector_load %arg7[%swap3A_157, %swap3A_158] {strides = array<i32>} : memref<125x128xf32, #tpu.memory_space<vmem>>, vector<1x16xf32>,
      %swap3A_160 = vector.shape_cast %swap3A_159 : vector<1x16xf32> to vector<16xf32>
      %swap3A_161 = vector.shape_cast %broadcast_in_dim3A_1 : vector<16xf32> to vector<1x16xf32>
      tpu.vector_store %arg7[%swap3A_157, %swap3A_158], %swap3A_161 {strides = array<i32>} : memref<125x128xf32, #tpu.memory_space<vmem>>, vector<1x16xf32>,
    }
    %scan3A_6 = arith.constant 125 : i32
    %mul3A_7 = arith.constant 5 : i32
    %mul3A_8 = arith.muli %arg1, %mul3A_7 : i32
    %add3A_9 = arith.constant 0 : i32
    %add3A_10 = arith.addi %mul3A_8, %add3A_9 : i32
    %mul3A_11 = arith.constant 125 : i32
    %mul3A_12 = arith.muli %add3A_10, %mul3A_11 : i32
    "tpu.region"() ({
      %run_scoped3A_122 = tpu.sem_alloc : memref<!tpu.dma_semaphore, #tpu.memory_space<semaphore_mem>>
      %dma_start3A_123 = arith.constant 0 : i32
      %dma_start3A_124 = tpu.memref_slice %arg9[%mul3A_12, %dma_start3A_123] : memref<10000x128xf32, #tpu.memory_space<vmem_shared>> -> memref<125x128xf32, #tpu.memory_space<vmem_shared>>
      %dma_start3A_125 = arith.constant 0 : i32
      %dma_start3A_126 = tpu.memref_slice %arg9[%mul3A_12, %dma_start3A_125] : memref<10000x128xf32, #tpu.memory_space<vmem_shared>> -> memref<125x128xf32, #tpu.memory_space<vmem_shared>>
      tpu.enqueue_dma source(%arg7 : memref<125x128xf32, #tpu.memory_space<vmem>>) target(%dma_start3A_126 : memref<125x128xf32, #tpu.memory_space<vmem_shared>>) target_semaphore(%run_scoped3A_122 : memref<!tpu.dma_semaphore, #tpu.memory_space<semaphore_mem>>)
      %dma_wait3A_127 = arith.constant 0 : i32
      %dma_wait3A_128 = tpu.memref_slice %arg9[%mul3A_12, %dma_wait3A_127] : memref<10000x128xf32, #tpu.memory_space<vmem_shared>> -> memref<125x128xf32, #tpu.memory_space<vmem_shared>>
      %dma_wait3A_129 = arith.constant 0 : i32
      %dma_wait3A_130 = tpu.memref_slice %arg9[%mul3A_12, %dma_wait3A_129] : memref<10000x128xf32, #tpu.memory_space<vmem_shared>> -> memref<125x128xf32, #tpu.memory_space<vmem_shared>>
      tpu.wait_dma2 semaphore(%run_scoped3A_122 : memref<!tpu.dma_semaphore, #tpu.memory_space<semaphore_mem>>) src(%arg7 : memref<125x128xf32, #tpu.memory_space<vmem>>) dst(%dma_wait3A_130 : memref<125x128xf32, #tpu.memory_space<vmem_shared>>)
      tpu.yield
    }) : () -> ()
    %mul3A_13 = arith.constant 5 : i32
    %mul3A_14 = arith.muli %arg1, %mul3A_13 : i32
    %add3A_15 = arith.constant 1 : i32
    %add3A_16 = arith.addi %mul3A_14, %add3A_15 : i32
    %mul3A_17 = arith.constant 125 : i32
    %mul3A_18 = arith.muli %add3A_16, %mul3A_17 : i32
    "tpu.region"() ({
      %run_scoped3A_122 = tpu.sem_alloc : memref<!tpu.dma_semaphore, #tpu.memory_space<semaphore_mem>>
      %dma_start3A_123 = arith.constant 0 : i32
      %dma_start3A_124 = tpu.memref_slice %arg9[%mul3A_18, %dma_start3A_123] : memref<10000x128xf32, #tpu.memory_space<vmem_shared>> -> memref<125x128xf32, #tpu.memory_space<vmem_shared>>
      %dma_start3A_125 = arith.constant 0 : i32
      %dma_start3A_126 = tpu.memref_slice %arg9[%mul3A_18, %dma_start3A_125] : memref<10000x128xf32, #tpu.memory_space<vmem_shared>> -> memref<125x128xf32, #tpu.memory_space<vmem_shared>>
      tpu.enqueue_dma source(%arg7 : memref<125x128xf32, #tpu.memory_space<vmem>>) target(%dma_start3A_126 : memref<125x128xf32, #tpu.memory_space<vmem_shared>>) target_semaphore(%run_scoped3A_122 : memref<!tpu.dma_semaphore, #tpu.memory_space<semaphore_mem>>)
      %dma_wait3A_127 = arith.constant 0 : i32
      %dma_wait3A_128 = tpu.memref_slice %arg9[%mul3A_18, %dma_wait3A_127] : memref<10000x128xf32, #tpu.memory_space<vmem_shared>> -> memref<125x128xf32, #tpu.memory_space<vmem_shared>>
      %dma_wait3A_129 = arith.constant 0 : i32
      %dma_wait3A_130 = tpu.memref_slice %arg9[%mul3A_18, %dma_wait3A_129] : memref<10000x128xf32, #tpu.memory_space<vmem_shared>> -> memref<125x128xf32, #tpu.memory_space<vmem_shared>>
      tpu.wait_dma2 semaphore(%run_scoped3A_122 : memref<!tpu.dma_semaphore, #tpu.memory_space<semaphore_mem>>) src(%arg7 : memref<125x128xf32, #tpu.memory_space<vmem>>) dst(%dma_wait3A_130 : memref<125x128xf32, #tpu.memory_space<vmem_shared>>)
      tpu.yield
    }) : () -> ()
    %mul3A_19 = arith.constant 5 : i32
    %mul3A_20 = arith.muli %arg1, %mul3A_19 : i32
    %add3A_21 = arith.constant 2 : i32
    %add3A_22 = arith.addi %mul3A_20, %add3A_21 : i32
    %mul3A_23 = arith.constant 125 : i32
    %mul3A_24 = arith.muli %add3A_22, %mul3A_23 : i32
    "tpu.region"() ({
      %run_scoped3A_122 = tpu.sem_alloc : memref<!tpu.dma_semaphore, #tpu.memory_space<semaphore_mem>>
      %dma_start3A_123 = arith.constant 0 : i32
      %dma_start3A_124 = tpu.memref_slice %arg9[%mul3A_24, %dma_start3A_123] : memref<10000x128xf32, #tpu.memory_space<vmem_shared>> -> memref<125x128xf32, #tpu.memory_space<vmem_shared>>
      %dma_start3A_125 = arith.constant 0 : i32
      %dma_start3A_126 = tpu.memref_slice %arg9[%mul3A_24, %dma_start3A_125] : memref<10000x128xf32, #tpu.memory_space<vmem_shared>> -> memref<125x128xf32, #tpu.memory_space<vmem_shared>>
      tpu.enqueue_dma source(%arg7 : memref<125x128xf32, #tpu.memory_space<vmem>>) target(%dma_start3A_126 : memref<125x128xf32, #tpu.memory_space<vmem_shared>>) target_semaphore(%run_scoped3A_122 : memref<!tpu.dma_semaphore, #tpu.memory_space<semaphore_mem>>)
      %dma_wait3A_127 = arith.constant 0 : i32
      %dma_wait3A_128 = tpu.memref_slice %arg9[%mul3A_24, %dma_wait3A_127] : memref<10000x128xf32, #tpu.memory_space<vmem_shared>> -> memref<125x128xf32, #tpu.memory_space<vmem_shared>>
      %dma_wait3A_129 = arith.constant 0 : i32
      %dma_wait3A_130 = tpu.memref_slice %arg9[%mul3A_24, %dma_wait3A_129] : memref<10000x128xf32, #tpu.memory_space<vmem_shared>> -> memref<125x128xf32, #tpu.memory_space<vmem_shared>>
      tpu.wait_dma2 semaphore(%run_scoped3A_122 : memref<!tpu.dma_semaphore, #tpu.memory_space<semaphore_mem>>) src(%arg7 : memref<125x128xf32, #tpu.memory_space<vmem>>) dst(%dma_wait3A_130 : memref<125x128xf32, #tpu.memory_space<vmem_shared>>)
      tpu.yield
    }) : () -> ()
    %mul3A_25 = arith.constant 5 : i32
    %mul3A_26 = arith.muli %arg1, %mul3A_25 : i32
    %add3A_27 = arith.constant 3 : i32
    %add3A_28 = arith.addi %mul3A_26, %add3A_27 : i32
    %mul3A_29 = arith.constant 125 : i32
    %mul3A_30 = arith.muli %add3A_28, %mul3A_29 : i32
    "tpu.region"() ({
      %run_scoped3A_122 = tpu.sem_alloc : memref<!tpu.dma_semaphore, #tpu.memory_space<semaphore_mem>>
      %dma_start3A_123 = arith.constant 0 : i32
      %dma_start3A_124 = tpu.memref_slice %arg9[%mul3A_30, %dma_start3A_123] : memref<10000x128xf32, #tpu.memory_space<vmem_shared>> -> memref<125x128xf32, #tpu.memory_space<vmem_shared>>
      %dma_start3A_125 = arith.constant 0 : i32
      %dma_start3A_126 = tpu.memref_slice %arg9[%mul3A_30, %dma_start3A_125] : memref<10000x128xf32, #tpu.memory_space<vmem_shared>> -> memref<125x128xf32, #tpu.memory_space<vmem_shared>>
      tpu.enqueue_dma source(%arg7 : memref<125x128xf32, #tpu.memory_space<vmem>>) target(%dma_start3A_126 : memref<125x128xf32, #tpu.memory_space<vmem_shared>>) target_semaphore(%run_scoped3A_122 : memref<!tpu.dma_semaphore, #tpu.memory_space<semaphore_mem>>)
      %dma_wait3A_127 = arith.constant 0 : i32
      %dma_wait3A_128 = tpu.memref_slice %arg9[%mul3A_30, %dma_wait3A_127] : memref<10000x128xf32, #tpu.memory_space<vmem_shared>> -> memref<125x128xf32, #tpu.memory_space<vmem_shared>>
      %dma_wait3A_129 = arith.constant 0 : i32
      %dma_wait3A_130 = tpu.memref_slice %arg9[%mul3A_30, %dma_wait3A_129] : memref<10000x128xf32, #tpu.memory_space<vmem_shared>> -> memref<125x128xf32, #tpu.memory_space<vmem_shared>>
      tpu.wait_dma2 semaphore(%run_scoped3A_122 : memref<!tpu.dma_semaphore, #tpu.memory_space<semaphore_mem>>) src(%arg7 : memref<125x128xf32, #tpu.memory_space<vmem>>) dst(%dma_wait3A_130 : memref<125x128xf32, #tpu.memory_space<vmem_shared>>)
      tpu.yield
    }) : () -> ()
    %mul3A_31 = arith.constant 5 : i32
    %mul3A_32 = arith.muli %arg1, %mul3A_31 : i32
    %add3A_33 = arith.constant 4 : i32
    %add3A_34 = arith.addi %mul3A_32, %add3A_33 : i32
    %mul3A_35 = arith.constant 125 : i32
    %mul3A_36 = arith.muli %add3A_34, %mul3A_35 : i32
    "tpu.region"() ({
      %run_scoped3A_122 = tpu.sem_alloc : memref<!tpu.dma_semaphore, #tpu.memory_space<semaphore_mem>>
      %dma_start3A_123 = arith.constant 0 : i32
      %dma_start3A_124 = tpu.memref_slice %arg9[%mul3A_36, %dma_start3A_123] : memref<10000x128xf32, #tpu.memory_space<vmem_shared>> -> memref<125x128xf32, #tpu.memory_space<vmem_shared>>
      %dma_start3A_125 = arith.constant 0 : i32
      %dma_start3A_126 = tpu.memref_slice %arg9[%mul3A_36, %dma_start3A_125] : memref<10000x128xf32, #tpu.memory_space<vmem_shared>> -> memref<125x128xf32, #tpu.memory_space<vmem_shared>>
      tpu.enqueue_dma source(%arg7 : memref<125x128xf32, #tpu.memory_space<vmem>>) target(%dma_start3A_126 : memref<125x128xf32, #tpu.memory_space<vmem_shared>>) target_semaphore(%run_scoped3A_122 : memref<!tpu.dma_semaphore, #tpu.memory_space<semaphore_mem>>)
      %dma_wait3A_127 = arith.constant 0 : i32
      %dma_wait3A_128 = tpu.memref_slice %arg9[%mul3A_36, %dma_wait3A_127] : memref<10000x128xf32, #tpu.memory_space<vmem_shared>> -> memref<125x128xf32, #tpu.memory_space<vmem_shared>>
      %dma_wait3A_129 = arith.constant 0 : i32
      %dma_wait3A_130 = tpu.memref_slice %arg9[%mul3A_36, %dma_wait3A_129] : memref<10000x128xf32, #tpu.memory_space<vmem_shared>> -> memref<125x128xf32, #tpu.memory_space<vmem_shared>>
      tpu.wait_dma2 semaphore(%run_scoped3A_122 : memref<!tpu.dma_semaphore, #tpu.memory_space<semaphore_mem>>) src(%arg7 : memref<125x128xf32, #tpu.memory_space<vmem>>) dst(%dma_wait3A_130 : memref<125x128xf32, #tpu.memory_space<vmem_shared>>)
      tpu.yield
    }) : () -> ()
    %mul3A_37 = arith.constant 80 : i32
    %mul3A_38 = arith.muli %add3A, %mul3A_37 : i32
    %add3A_39 = arith.constant 0 : i32
    %add3A_40 = arith.addi %mul3A_38, %add3A_39 : i32
    %run_scoped3A = arith.constant 0 : i32
    "tpu.region"() ({
      %run_scoped3A_122 = tpu.sem_alloc : memref<!tpu.dma_semaphore, #tpu.memory_space<semaphore_mem>>
      %dma_start3A_123 = arith.constant 0 : i32
      %dma_start3A_124 = tpu.memref_slice %arg3[%run_scoped3A, %add3A_40, %dma_start3A_123] : memref<2x2560x125xi32, #tpu.memory_space<hbm>> -> memref<1x40x125xi32, #tpu.memory_space<hbm>>
      %dma_start3A_125 = tpu.memref_squeeze %dma_start3A_124 : memref<1x40x125xi32, #tpu.memory_space<hbm>> -> memref<40x125xi32, #tpu.memory_space<hbm>>
      %dma_start3A_126 = arith.constant 0 : i32
      %dma_start3A_127 = tpu.memref_slice %arg3[%run_scoped3A, %add3A_40, %dma_start3A_126] : memref<2x2560x125xi32, #tpu.memory_space<hbm>> -> memref<1x40x125xi32, #tpu.memory_space<hbm>>
      %dma_start3A_128 = tpu.memref_squeeze %dma_start3A_127 : memref<1x40x125xi32, #tpu.memory_space<hbm>> -> memref<40x125xi32, #tpu.memory_space<hbm>>
      tpu.enqueue_dma source(%dma_start3A_128 : memref<40x125xi32, #tpu.memory_space<hbm>>) target(%arg5 : memref<40x125xi32, #tpu.memory_space<vmem>>) target_semaphore(%run_scoped3A_122 : memref<!tpu.dma_semaphore, #tpu.memory_space<semaphore_mem>>)
      %dma_wait3A_129 = arith.constant 0 : i32
      %dma_wait3A_130 = tpu.memref_slice %arg3[%run_scoped3A, %add3A_40, %dma_wait3A_129] : memref<2x2560x125xi32, #tpu.memory_space<hbm>> -> memref<1x40x125xi32, #tpu.memory_space<hbm>>
      %dma_wait3A_131 = tpu.memref_squeeze %dma_wait3A_130 : memref<1x40x125xi32, #tpu.memory_space<hbm>> -> memref<40x125xi32, #tpu.memory_space<hbm>>
      %dma_wait3A_132 = arith.constant 0 : i32
      %dma_wait3A_133 = tpu.memref_slice %arg3[%run_scoped3A, %add3A_40, %dma_wait3A_132] : memref<2x2560x125xi32, #tpu.memory_space<hbm>> -> memref<1x40x125xi32, #tpu.memory_space<hbm>>
      %dma_wait3A_134 = tpu.memref_squeeze %dma_wait3A_133 : memref<1x40x125xi32, #tpu.memory_space<hbm>> -> memref<40x125xi32, #tpu.memory_space<hbm>>
      tpu.wait_dma2 semaphore(%run_scoped3A_122 : memref<!tpu.dma_semaphore, #tpu.memory_space<semaphore_mem>>) src(%dma_wait3A_134 : memref<40x125xi32, #tpu.memory_space<hbm>>) dst(%arg5 : memref<40x125xi32, #tpu.memory_space<vmem>>)
      tpu.yield
    }) : () -> ()
    %run_scoped3A_41 = arith.constant 1 : i32
    "tpu.region"() ({
      %run_scoped3A_122 = tpu.sem_alloc : memref<!tpu.dma_semaphore, #tpu.memory_space<semaphore_mem>>
      %dma_start3A_123 = arith.constant 0 : i32
      %dma_start3A_124 = tpu.memref_slice %arg3[%run_scoped3A_41, %add3A_40, %dma_start3A_123] : memref<2x2560x125xi32, #tpu.memory_space<hbm>> -> memref<1x40x125xi32, #tpu.memory_space<hbm>>
      %dma_start3A_125 = tpu.memref_squeeze %dma_start3A_124 : memref<1x40x125xi32, #tpu.memory_space<hbm>> -> memref<40x125xi32, #tpu.memory_space<hbm>>
      %dma_start3A_126 = arith.constant 0 : i32
      %dma_start3A_127 = tpu.memref_slice %arg3[%run_scoped3A_41, %add3A_40, %dma_start3A_126] : memref<2x2560x125xi32, #tpu.memory_space<hbm>> -> memref<1x40x125xi32, #tpu.memory_space<hbm>>
      %dma_start3A_128 = tpu.memref_squeeze %dma_start3A_127 : memref<1x40x125xi32, #tpu.memory_space<hbm>> -> memref<40x125xi32, #tpu.memory_space<hbm>>
      tpu.enqueue_dma source(%dma_start3A_128 : memref<40x125xi32, #tpu.memory_space<hbm>>) target(%arg6 : memref<40x125xi32, #tpu.memory_space<vmem>>) target_semaphore(%run_scoped3A_122 : memref<!tpu.dma_semaphore, #tpu.memory_space<semaphore_mem>>)
      %dma_wait3A_129 = arith.constant 0 : i32
      %dma_wait3A_130 = tpu.memref_slice %arg3[%run_scoped3A_41, %add3A_40, %dma_wait3A_129] : memref<2x2560x125xi32, #tpu.memory_space<hbm>> -> memref<1x40x125xi32, #tpu.memory_space<hbm>>
      %dma_wait3A_131 = tpu.memref_squeeze %dma_wait3A_130 : memref<1x40x125xi32, #tpu.memory_space<hbm>> -> memref<40x125xi32, #tpu.memory_space<hbm>>
      %dma_wait3A_132 = arith.constant 0 : i32
      %dma_wait3A_133 = tpu.memref_slice %arg3[%run_scoped3A_41, %add3A_40, %dma_wait3A_132] : memref<2x2560x125xi32, #tpu.memory_space<hbm>> -> memref<1x40x125xi32, #tpu.memory_space<hbm>>
      %dma_wait3A_134 = tpu.memref_squeeze %dma_wait3A_133 : memref<1x40x125xi32, #tpu.memory_space<hbm>> -> memref<40x125xi32, #tpu.memory_space<hbm>>
      tpu.wait_dma2 semaphore(%run_scoped3A_122 : memref<!tpu.dma_semaphore, #tpu.memory_space<semaphore_mem>>) src(%dma_wait3A_134 : memref<40x125xi32, #tpu.memory_space<hbm>>) dst(%arg6 : memref<40x125xi32, #tpu.memory_space<vmem>>)
      tpu.yield
    }) : () -> ()
    %dma_start3A = arith.constant 0 : i32
    %dma_start3A_42 = arith.constant 0 : i32
    %dma_start3A_43 = tpu.memref_slice %arg5[%dma_start3A, %dma_start3A_42] : memref<40x125xi32, #tpu.memory_space<vmem>> -> memref<1x125xi32, #tpu.memory_space<vmem>>
    %dma_start3A_44 = tpu.memref_squeeze %dma_start3A_43 : memref<1x125xi32, #tpu.memory_space<vmem>> -> memref<125xi32, #tpu.memory_space<vmem>>
    %dma_start3A_45 = arith.constant 0 : i32
    %dma_start3A_46 = arith.constant 0 : i32
    %dma_start3A_47 = tpu.memref_slice %arg2[%dma_start3A_45, %dma_start3A_46] : memref<10000x128xf32, #tpu.memory_space<hbm>> -> memref<10000x128xf32, #tpu.memory_space<hbm>>
    tpu.enqueue_indirect_dma source(%dma_start3A_47 : memref<10000x128xf32, #tpu.memory_space<hbm>>) target(%arg7 : memref<125x128xf32, #tpu.memory_space<vmem>>) offsets(%dma_start3A_44 : memref<125xi32, #tpu.memory_space<vmem>>) semaphore(%arg10 : memref<!tpu.dma_semaphore, #tpu.memory_space<semaphore_mem>>)
    %dma_start3A_48 = arith.constant 1 : i32
    %dma_start3A_49 = arith.constant 0 : i32
    %dma_start3A_50 = tpu.memref_slice %arg5[%dma_start3A_48, %dma_start3A_49] : memref<40x125xi32, #tpu.memory_space<vmem>> -> memref<1x125xi32, #tpu.memory_space<vmem>>
    %dma_start3A_51 = tpu.memref_squeeze %dma_start3A_50 : memref<1x125xi32, #tpu.memory_space<vmem>> -> memref<125xi32, #tpu.memory_space<vmem>>
    %dma_start3A_52 = arith.constant 0 : i32
    %dma_start3A_53 = arith.constant 0 : i32
    %dma_start3A_54 = tpu.memref_slice %arg2[%dma_start3A_52, %dma_start3A_53] : memref<10000x128xf32, #tpu.memory_space<hbm>> -> memref<10000x128xf32, #tpu.memory_space<hbm>>
    tpu.enqueue_indirect_dma source(%dma_start3A_54 : memref<10000x128xf32, #tpu.memory_space<hbm>>) target(%arg8 : memref<125x128xf32, #tpu.memory_space<vmem>>) offsets(%dma_start3A_51 : memref<125xi32, #tpu.memory_space<vmem>>) semaphore(%arg11 : memref<!tpu.dma_semaphore, #tpu.memory_space<semaphore_mem>>)
    %barrier3A = arith.constant 0 : index
    tpu.barrier barrier_id(%barrier3A)
    %scan3A_55 = arith.constant 0 : i32
    %scan3A_56 = arith.constant 0 : i32
    %scan3A_57 = arith.constant 20 : i32
    %scan3A_58 = arith.addi %scan3A_56, %scan3A_57 : i32
    %scan3A_59 = arith.constant 1 : i32
    scf.for %scan3A_122 = %scan3A_56 to %scan3A_58 step %scan3A_59  : i32 {
      %mul3A_123 = arith.constant 2 : i32
      %mul3A_124 = arith.muli %mul3A_123, %scan3A_122 : i32
      %dma_wait3A_125 = arith.constant 0 : i32
      %dma_wait3A_126 = arith.constant 0 : i32
      %dma_wait3A_127 = tpu.memref_slice %arg5[%dma_wait3A_125, %dma_wait3A_126] : memref<40x125xi32, #tpu.memory_space<vmem>> -> memref<1x125xi32, #tpu.memory_space<vmem>>
      %dma_wait3A_128 = tpu.memref_squeeze %dma_wait3A_127 : memref<1x125xi32, #tpu.memory_space<vmem>> -> memref<125xi32, #tpu.memory_space<vmem>>
      %dma_wait3A_129 = arith.constant 0 : i32
      %dma_wait3A_130 = arith.constant 0 : i32
      %dma_wait3A_131 = tpu.memref_slice %arg2[%dma_wait3A_129, %dma_wait3A_130] : memref<10000x128xf32, #tpu.memory_space<hbm>> -> memref<10000x128xf32, #tpu.memory_space<hbm>>
      tpu.wait_indirect_dma semaphore(%arg10 : memref<!tpu.dma_semaphore, #tpu.memory_space<semaphore_mem>>) src(%dma_wait3A_131 : memref<10000x128xf32, #tpu.memory_space<hbm>>) dst(%arg7 : memref<125x128xf32, #tpu.memory_space<vmem>>)
      "tpu.region"() ({
        %run_scoped3A_160 = tpu.sem_alloc : memref<!tpu.dma_semaphore, #tpu.memory_space<semaphore_mem>>
        %dma_start3A_161 = arith.constant 0 : i32
        %dma_start3A_162 = tpu.memref_slice %arg6[%mul3A_124, %dma_start3A_161] : memref<40x125xi32, #tpu.memory_space<vmem>> -> memref<1x125xi32, #tpu.memory_space<vmem>>
        %dma_start3A_163 = tpu.memref_squeeze %dma_start3A_162 : memref<1x125xi32, #tpu.memory_space<vmem>> -> memref<125xi32, #tpu.memory_space<vmem>>
        %dma_start3A_164 = arith.constant 0 : i32
        %dma_start3A_165 = arith.constant 0 : i32
        %dma_start3A_166 = tpu.memref_slice %arg9[%dma_start3A_164, %dma_start3A_165] : memref<10000x128xf32, #tpu.memory_space<vmem_shared>> -> memref<10000x128xf32, #tpu.memory_space<vmem_shared>>
        tpu.enqueue_indirect_dma source(%arg7 : memref<125x128xf32, #tpu.memory_space<vmem>>) target(%dma_start3A_166 : memref<10000x128xf32, #tpu.memory_space<vmem_shared>>) offsets(%dma_start3A_163 : memref<125xi32, #tpu.memory_space<vmem>>) semaphore(%run_scoped3A_160 : memref<!tpu.dma_semaphore, #tpu.memory_space<semaphore_mem>>) {add = true}
        %dma_wait3A_167 = arith.constant 0 : i32
        %dma_wait3A_168 = tpu.memref_slice %arg6[%mul3A_124, %dma_wait3A_167] : memref<40x125xi32, #tpu.memory_space<vmem>> -> memref<1x125xi32, #tpu.memory_space<vmem>>
        %dma_wait3A_169 = tpu.memref_squeeze %dma_wait3A_168 : memref<1x125xi32, #tpu.memory_space<vmem>> -> memref<125xi32, #tpu.memory_space<vmem>>
        %dma_wait3A_170 = arith.constant 0 : i32
        %dma_wait3A_171 = arith.constant 0 : i32
        %dma_wait3A_172 = tpu.memref_slice %arg9[%dma_wait3A_170, %dma_wait3A_171] : memref<10000x128xf32, #tpu.memory_space<vmem_shared>> -> memref<10000x128xf32, #tpu.memory_space<vmem_shared>>
        tpu.wait_indirect_dma semaphore(%run_scoped3A_160 : memref<!tpu.dma_semaphore, #tpu.memory_space<semaphore_mem>>) src(%arg7 : memref<125x128xf32, #tpu.memory_space<vmem>>) dst(%dma_wait3A_172 : memref<10000x128xf32, #tpu.memory_space<vmem_shared>>)
        tpu.yield
      }) : () -> ()
      %add3A_132 = arith.constant 2 : i32
      %add3A_133 = arith.addi %mul3A_124, %add3A_132 : i32
      %min3A = arith.constant 39 : i32
      %min3A_134 = arith.minsi %add3A_133, %min3A : i32
      %dma_start3A_135 = arith.constant 0 : i32
      %dma_start3A_136 = tpu.memref_slice %arg5[%min3A_134, %dma_start3A_135] : memref<40x125xi32, #tpu.memory_space<vmem>> -> memref<1x125xi32, #tpu.memory_space<vmem>>
      %dma_start3A_137 = tpu.memref_squeeze %dma_start3A_136 : memref<1x125xi32, #tpu.memory_space<vmem>> -> memref<125xi32, #tpu.memory_space<vmem>>
      %dma_start3A_138 = arith.constant 0 : i32
      %dma_start3A_139 = arith.constant 0 : i32
      %dma_start3A_140 = tpu.memref_slice %arg2[%dma_start3A_138, %dma_start3A_139] : memref<10000x128xf32, #tpu.memory_space<hbm>> -> memref<10000x128xf32, #tpu.memory_space<hbm>>
      tpu.enqueue_indirect_dma source(%dma_start3A_140 : memref<10000x128xf32, #tpu.memory_space<hbm>>) target(%arg7 : memref<125x128xf32, #tpu.memory_space<vmem>>) offsets(%dma_start3A_137 : memref<125xi32, #tpu.memory_space<vmem>>) semaphore(%arg10 : memref<!tpu.dma_semaphore, #tpu.memory_space<semaphore_mem>>)
      %dma_wait3A_141 = arith.constant 0 : i32
      %dma_wait3A_142 = arith.constant 0 : i32
      %dma_wait3A_143 = tpu.memref_slice %arg5[%dma_wait3A_141, %dma_wait3A_142] : memref<40x125xi32, #tpu.memory_space<vmem>> -> memref<1x125xi32, #tpu.memory_space<vmem>>
      %dma_wait3A_144 = tpu.memref_squeeze %dma_wait3A_143 : memref<1x125xi32, #tpu.memory_space<vmem>> -> memref<125xi32, #tpu.memory_space<vmem>>
      %dma_wait3A_145 = arith.constant 0 : i32
      %dma_wait3A_146 = arith.constant 0 : i32
      %dma_wait3A_147 = tpu.memref_slice %arg2[%dma_wait3A_145, %dma_wait3A_146] : memref<10000x128xf32, #tpu.memory_space<hbm>> -> memref<10000x128xf32, #tpu.memory_space<hbm>>
      tpu.wait_indirect_dma semaphore(%arg11 : memref<!tpu.dma_semaphore, #tpu.memory_space<semaphore_mem>>) src(%dma_wait3A_147 : memref<10000x128xf32, #tpu.memory_space<hbm>>) dst(%arg8 : memref<125x128xf32, #tpu.memory_space<vmem>>)
      %add3A_148 = arith.constant 1 : i32
      %add3A_149 = arith.addi %mul3A_124, %add3A_148 : i32
      "tpu.region"() ({
        %run_scoped3A_160 = tpu.sem_alloc : memref<!tpu.dma_semaphore, #tpu.memory_space<semaphore_mem>>
        %dma_start3A_161 = arith.constant 0 : i32
        %dma_start3A_162 = tpu.memref_slice %arg6[%add3A_149, %dma_start3A_161] : memref<40x125xi32, #tpu.memory_space<vmem>> -> memref<1x125xi32, #tpu.memory_space<vmem>>
        %dma_start3A_163 = tpu.memref_squeeze %dma_start3A_162 : memref<1x125xi32, #tpu.memory_space<vmem>> -> memref<125xi32, #tpu.memory_space<vmem>>
        %dma_start3A_164 = arith.constant 0 : i32
        %dma_start3A_165 = arith.constant 0 : i32
        %dma_start3A_166 = tpu.memref_slice %arg9[%dma_start3A_164, %dma_start3A_165] : memref<10000x128xf32, #tpu.memory_space<vmem_shared>> -> memref<10000x128xf32, #tpu.memory_space<vmem_shared>>
        tpu.enqueue_indirect_dma source(%arg8 : memref<125x128xf32, #tpu.memory_space<vmem>>) target(%dma_start3A_166 : memref<10000x128xf32, #tpu.memory_space<vmem_shared>>) offsets(%dma_start3A_163 : memref<125xi32, #tpu.memory_space<vmem>>) semaphore(%run_scoped3A_160 : memref<!tpu.dma_semaphore, #tpu.memory_space<semaphore_mem>>) {add = true}
        %dma_wait3A_167 = arith.constant 0 : i32
        %dma_wait3A_168 = tpu.memref_slice %arg6[%add3A_149, %dma_wait3A_167] : memref<40x125xi32, #tpu.memory_space<vmem>> -> memref<1x125xi32, #tpu.memory_space<vmem>>
        %dma_wait3A_169 = tpu.memref_squeeze %dma_wait3A_168 : memref<1x125xi32, #tpu.memory_space<vmem>> -> memref<125xi32, #tpu.memory_space<vmem>>
        %dma_wait3A_170 = arith.constant 0 : i32
        %dma_wait3A_171 = arith.constant 0 : i32
        %dma_wait3A_172 = tpu.memref_slice %arg9[%dma_wait3A_170, %dma_wait3A_171] : memref<10000x128xf32, #tpu.memory_space<vmem_shared>> -> memref<10000x128xf32, #tpu.memory_space<vmem_shared>>
        tpu.wait_indirect_dma semaphore(%run_scoped3A_160 : memref<!tpu.dma_semaphore, #tpu.memory_space<semaphore_mem>>) src(%arg8 : memref<125x128xf32, #tpu.memory_space<vmem>>) dst(%dma_wait3A_172 : memref<10000x128xf32, #tpu.memory_space<vmem_shared>>)
        tpu.yield
      }) : () -> ()
      %add3A_150 = arith.constant 3 : i32
      %add3A_151 = arith.addi %mul3A_124, %add3A_150 : i32
      %min3A_152 = arith.constant 39 : i32
      %min3A_153 = arith.minsi %add3A_151, %min3A_152 : i32
      %dma_start3A_154 = arith.constant 0 : i32
      %dma_start3A_155 = tpu.memref_slice %arg5[%min3A_153, %dma_start3A_154] : memref<40x125xi32, #tpu.memory_space<vmem>> -> memref<1x125xi32, #tpu.memory_space<vmem>>
      %dma_start3A_156 = tpu.memref_squeeze %dma_start3A_155 : memref<1x125xi32, #tpu.memory_space<vmem>> -> memref<125xi32, #tpu.memory_space<vmem>>
      %dma_start3A_157 = arith.constant 0 : i32
      %dma_start3A_158 = arith.constant 0 : i32
      %dma_start3A_159 = tpu.memref_slice %arg2[%dma_start3A_157, %dma_start3A_158] : memref<10000x128xf32, #tpu.memory_space<hbm>> -> memref<10000x128xf32, #tpu.memory_space<hbm>>
      tpu.enqueue_indirect_dma source(%dma_start3A_159 : memref<10000x128xf32, #tpu.memory_space<hbm>>) target(%arg8 : memref<125x128xf32, #tpu.memory_space<vmem>>) offsets(%dma_start3A_156 : memref<125xi32, #tpu.memory_space<vmem>>) semaphore(%arg11 : memref<!tpu.dma_semaphore, #tpu.memory_space<semaphore_mem>>)
    }
    %scan3A_60 = arith.constant 20 : i32
    %dma_wait3A = arith.constant 0 : i32
    %dma_wait3A_61 = arith.constant 0 : i32
    %dma_wait3A_62 = tpu.memref_slice %arg5[%dma_wait3A, %dma_wait3A_61] : memref<40x125xi32, #tpu.memory_space<vmem>> -> memref<1x125xi32, #tpu.memory_space<vmem>>
    %dma_wait3A_63 = tpu.memref_squeeze %dma_wait3A_62 : memref<1x125xi32, #tpu.memory_space<vmem>> -> memref<125xi32, #tpu.memory_space<vmem>>
    %dma_wait3A_64 = arith.constant 0 : i32
    %dma_wait3A_65 = arith.constant 0 : i32
    %dma_wait3A_66 = tpu.memref_slice %arg2[%dma_wait3A_64, %dma_wait3A_65] : memref<10000x128xf32, #tpu.memory_space<hbm>> -> memref<10000x128xf32, #tpu.memory_space<hbm>>
    tpu.wait_indirect_dma semaphore(%arg10 : memref<!tpu.dma_semaphore, #tpu.memory_space<semaphore_mem>>) src(%dma_wait3A_66 : memref<10000x128xf32, #tpu.memory_space<hbm>>) dst(%arg7 : memref<125x128xf32, #tpu.memory_space<vmem>>)
    %dma_wait3A_67 = arith.constant 0 : i32
    %dma_wait3A_68 = arith.constant 0 : i32
    %dma_wait3A_69 = tpu.memref_slice %arg5[%dma_wait3A_67, %dma_wait3A_68] : memref<40x125xi32, #tpu.memory_space<vmem>> -> memref<1x125xi32, #tpu.memory_space<vmem>>
    %dma_wait3A_70 = tpu.memref_squeeze %dma_wait3A_69 : memref<1x125xi32, #tpu.memory_space<vmem>> -> memref<125xi32, #tpu.memory_space<vmem>>
    %dma_wait3A_71 = arith.constant 0 : i32
    %dma_wait3A_72 = arith.constant 0 : i32
    %dma_wait3A_73 = tpu.memref_slice %arg2[%dma_wait3A_71, %dma_wait3A_72] : memref<10000x128xf32, #tpu.memory_space<hbm>> -> memref<10000x128xf32, #tpu.memory_space<hbm>>
    tpu.wait_indirect_dma semaphore(%arg11 : memref<!tpu.dma_semaphore, #tpu.memory_space<semaphore_mem>>) src(%dma_wait3A_73 : memref<10000x128xf32, #tpu.memory_space<hbm>>) dst(%arg8 : memref<125x128xf32, #tpu.memory_space<vmem>>)
    %mul3A_74 = arith.constant 80 : i32
    %mul3A_75 = arith.muli %add3A, %mul3A_74 : i32
    %add3A_76 = arith.constant 40 : i32
    %add3A_77 = arith.addi %mul3A_75, %add3A_76 : i32
    %run_scoped3A_78 = arith.constant 0 : i32
    "tpu.region"() ({
      %run_scoped3A_122 = tpu.sem_alloc : memref<!tpu.dma_semaphore, #tpu.memory_space<semaphore_mem>>
      %dma_start3A_123 = arith.constant 0 : i32
      %dma_start3A_124 = tpu.memref_slice %arg3[%run_scoped3A_78, %add3A_77, %dma_start3A_123] : memref<2x2560x125xi32, #tpu.memory_space<hbm>> -> memref<1x40x125xi32, #tpu.memory_space<hbm>>
      %dma_start3A_125 = tpu.memref_squeeze %dma_start3A_124 : memref<1x40x125xi32, #tpu.memory_space<hbm>> -> memref<40x125xi32, #tpu.memory_space<hbm>>
      %dma_start3A_126 = arith.constant 0 : i32
      %dma_start3A_127 = tpu.memref_slice %arg3[%run_scoped3A_78, %add3A_77, %dma_start3A_126] : memref<2x2560x125xi32, #tpu.memory_space<hbm>> -> memref<1x40x125xi32, #tpu.memory_space<hbm>>
      %dma_start3A_128 = tpu.memref_squeeze %dma_start3A_127 : memref<1x40x125xi32, #tpu.memory_space<hbm>> -> memref<40x125xi32, #tpu.memory_space<hbm>>
      tpu.enqueue_dma source(%dma_start3A_128 : memref<40x125xi32, #tpu.memory_space<hbm>>) target(%arg5 : memref<40x125xi32, #tpu.memory_space<vmem>>) target_semaphore(%run_scoped3A_122 : memref<!tpu.dma_semaphore, #tpu.memory_space<semaphore_mem>>)
      %dma_wait3A_129 = arith.constant 0 : i32
      %dma_wait3A_130 = tpu.memref_slice %arg3[%run_scoped3A_78, %add3A_77, %dma_wait3A_129] : memref<2x2560x125xi32, #tpu.memory_space<hbm>> -> memref<1x40x125xi32, #tpu.memory_space<hbm>>
      %dma_wait3A_131 = tpu.memref_squeeze %dma_wait3A_130 : memref<1x40x125xi32, #tpu.memory_space<hbm>> -> memref<40x125xi32, #tpu.memory_space<hbm>>
      %dma_wait3A_132 = arith.constant 0 : i32
      %dma_wait3A_133 = tpu.memref_slice %arg3[%run_scoped3A_78, %add3A_77, %dma_wait3A_132] : memref<2x2560x125xi32, #tpu.memory_space<hbm>> -> memref<1x40x125xi32, #tpu.memory_space<hbm>>
      %dma_wait3A_134 = tpu.memref_squeeze %dma_wait3A_133 : memref<1x40x125xi32, #tpu.memory_space<hbm>> -> memref<40x125xi32, #tpu.memory_space<hbm>>
      tpu.wait_dma2 semaphore(%run_scoped3A_122 : memref<!tpu.dma_semaphore, #tpu.memory_space<semaphore_mem>>) src(%dma_wait3A_134 : memref<40x125xi32, #tpu.memory_space<hbm>>) dst(%arg5 : memref<40x125xi32, #tpu.memory_space<vmem>>)
      tpu.yield
    }) : () -> ()
    %run_scoped3A_79 = arith.constant 1 : i32
    "tpu.region"() ({
      %run_scoped3A_122 = tpu.sem_alloc : memref<!tpu.dma_semaphore, #tpu.memory_space<semaphore_mem>>
      %dma_start3A_123 = arith.constant 0 : i32
      %dma_start3A_124 = tpu.memref_slice %arg3[%run_scoped3A_79, %add3A_77, %dma_start3A_123] : memref<2x2560x125xi32, #tpu.memory_space<hbm>> -> memref<1x40x125xi32, #tpu.memory_space<hbm>>
      %dma_start3A_125 = tpu.memref_squeeze %dma_start3A_124 : memref<1x40x125xi32, #tpu.memory_space<hbm>> -> memref<40x125xi32, #tpu.memory_space<hbm>>
      %dma_start3A_126 = arith.constant 0 : i32
      %dma_start3A_127 = tpu.memref_slice %arg3[%run_scoped3A_79, %add3A_77, %dma_start3A_126] : memref<2x2560x125xi32, #tpu.memory_space<hbm>> -> memref<1x40x125xi32, #tpu.memory_space<hbm>>
      %dma_start3A_128 = tpu.memref_squeeze %dma_start3A_127 : memref<1x40x125xi32, #tpu.memory_space<hbm>> -> memref<40x125xi32, #tpu.memory_space<hbm>>
      tpu.enqueue_dma source(%dma_start3A_128 : memref<40x125xi32, #tpu.memory_space<hbm>>) target(%arg6 : memref<40x125xi32, #tpu.memory_space<vmem>>) target_semaphore(%run_scoped3A_122 : memref<!tpu.dma_semaphore, #tpu.memory_space<semaphore_mem>>)
      %dma_wait3A_129 = arith.constant 0 : i32
      %dma_wait3A_130 = tpu.memref_slice %arg3[%run_scoped3A_79, %add3A_77, %dma_wait3A_129] : memref<2x2560x125xi32, #tpu.memory_space<hbm>> -> memref<1x40x125xi32, #tpu.memory_space<hbm>>
      %dma_wait3A_131 = tpu.memref_squeeze %dma_wait3A_130 : memref<1x40x125xi32, #tpu.memory_space<hbm>> -> memref<40x125xi32, #tpu.memory_space<hbm>>
      %dma_wait3A_132 = arith.constant 0 : i32
      %dma_wait3A_133 = tpu.memref_slice %arg3[%run_scoped3A_79, %add3A_77, %dma_wait3A_132] : memref<2x2560x125xi32, #tpu.memory_space<hbm>> -> memref<1x40x125xi32, #tpu.memory_space<hbm>>
      %dma_wait3A_134 = tpu.memref_squeeze %dma_wait3A_133 : memref<1x40x125xi32, #tpu.memory_space<hbm>> -> memref<40x125xi32, #tpu.memory_space<hbm>>
      tpu.wait_dma2 semaphore(%run_scoped3A_122 : memref<!tpu.dma_semaphore, #tpu.memory_space<semaphore_mem>>) src(%dma_wait3A_134 : memref<40x125xi32, #tpu.memory_space<hbm>>) dst(%arg6 : memref<40x125xi32, #tpu.memory_space<vmem>>)
      tpu.yield
    }) : () -> ()
    %dma_start3A_80 = arith.constant 0 : i32
    %dma_start3A_81 = arith.constant 0 : i32
    %dma_start3A_82 = tpu.memref_slice %arg5[%dma_start3A_80, %dma_start3A_81] : memref<40x125xi32, #tpu.memory_space<vmem>> -> memref<1x125xi32, #tpu.memory_space<vmem>>
    %dma_start3A_83 = tpu.memref_squeeze %dma_start3A_82 : memref<1x125xi32, #tpu.memory_space<vmem>> -> memref<125xi32, #tpu.memory_space<vmem>>
    %dma_start3A_84 = arith.constant 0 : i32
    %dma_start3A_85 = arith.constant 0 : i32
    %dma_start3A_86 = tpu.memref_slice %arg2[%dma_start3A_84, %dma_start3A_85] : memref<10000x128xf32, #tpu.memory_space<hbm>> -> memref<10000x128xf32, #tpu.memory_space<hbm>>
    tpu.enqueue_indirect_dma source(%dma_start3A_86 : memref<10000x128xf32, #tpu.memory_space<hbm>>) target(%arg7 : memref<125x128xf32, #tpu.memory_space<vmem>>) offsets(%dma_start3A_83 : memref<125xi32, #tpu.memory_space<vmem>>) semaphore(%arg10 : memref<!tpu.dma_semaphore, #tpu.memory_space<semaphore_mem>>)
    %dma_start3A_87 = arith.constant 1 : i32
    %dma_start3A_88 = arith.constant 0 : i32
    %dma_start3A_89 = tpu.memref_slice %arg5[%dma_start3A_87, %dma_start3A_88] : memref<40x125xi32, #tpu.memory_space<vmem>> -> memref<1x125xi32, #tpu.memory_space<vmem>>
    %dma_start3A_90 = tpu.memref_squeeze %dma_start3A_89 : memref<1x125xi32, #tpu.memory_space<vmem>> -> memref<125xi32, #tpu.memory_space<vmem>>
    %dma_start3A_91 = arith.constant 0 : i32
    %dma_start3A_92 = arith.constant 0 : i32
    %dma_start3A_93 = tpu.memref_slice %arg2[%dma_start3A_91, %dma_start3A_92] : memref<10000x128xf32, #tpu.memory_space<hbm>> -> memref<10000x128xf32, #tpu.memory_space<hbm>>
    tpu.enqueue_indirect_dma source(%dma_start3A_93 : memref<10000x128xf32, #tpu.memory_space<hbm>>) target(%arg8 : memref<125x128xf32, #tpu.memory_space<vmem>>) offsets(%dma_start3A_90 : memref<125xi32, #tpu.memory_space<vmem>>) semaphore(%arg11 : memref<!tpu.dma_semaphore, #tpu.memory_space<semaphore_mem>>)
    %scan3A_94 = arith.constant 0 : i32
    %scan3A_95 = arith.constant 0 : i32
    %scan3A_96 = arith.constant 20 : i32
    %scan3A_97 = arith.addi %scan3A_95, %scan3A_96 : i32
    %scan3A_98 = arith.constant 1 : i32
    scf.for %scan3A_122 = %scan3A_95 to %scan3A_97 step %scan3A_98  : i32 {
      %mul3A_123 = arith.constant 2 : i32
      %mul3A_124 = arith.muli %mul3A_123, %scan3A_122 : i32
      %dma_wait3A_125 = arith.constant 0 : i32
      %dma_wait3A_126 = arith.constant 0 : i32
      %dma_wait3A_127 = tpu.memref_slice %arg5[%dma_wait3A_125, %dma_wait3A_126] : memref<40x125xi32, #tpu.memory_space<vmem>> -> memref<1x125xi32, #tpu.memory_space<vmem>>
      %dma_wait3A_128 = tpu.memref_squeeze %dma_wait3A_127 : memref<1x125xi32, #tpu.memory_space<vmem>> -> memref<125xi32, #tpu.memory_space<vmem>>
      %dma_wait3A_129 = arith.constant 0 : i32
      %dma_wait3A_130 = arith.constant 0 : i32
      %dma_wait3A_131 = tpu.memref_slice %arg2[%dma_wait3A_129, %dma_wait3A_130] : memref<10000x128xf32, #tpu.memory_space<hbm>> -> memref<10000x128xf32, #tpu.memory_space<hbm>>
      tpu.wait_indirect_dma semaphore(%arg10 : memref<!tpu.dma_semaphore, #tpu.memory_space<semaphore_mem>>) src(%dma_wait3A_131 : memref<10000x128xf32, #tpu.memory_space<hbm>>) dst(%arg7 : memref<125x128xf32, #tpu.memory_space<vmem>>)
      "tpu.region"() ({
        %run_scoped3A_160 = tpu.sem_alloc : memref<!tpu.dma_semaphore, #tpu.memory_space<semaphore_mem>>
        %dma_start3A_161 = arith.constant 0 : i32
        %dma_start3A_162 = tpu.memref_slice %arg6[%mul3A_124, %dma_start3A_161] : memref<40x125xi32, #tpu.memory_space<vmem>> -> memref<1x125xi32, #tpu.memory_space<vmem>>
        %dma_start3A_163 = tpu.memref_squeeze %dma_start3A_162 : memref<1x125xi32, #tpu.memory_space<vmem>> -> memref<125xi32, #tpu.memory_space<vmem>>
        %dma_start3A_164 = arith.constant 0 : i32
        %dma_start3A_165 = arith.constant 0 : i32
        %dma_start3A_166 = tpu.memref_slice %arg9[%dma_start3A_164, %dma_start3A_165] : memref<10000x128xf32, #tpu.memory_space<vmem_shared>> -> memref<10000x128xf32, #tpu.memory_space<vmem_shared>>
        tpu.enqueue_indirect_dma source(%arg7 : memref<125x128xf32, #tpu.memory_space<vmem>>) target(%dma_start3A_166 : memref<10000x128xf32, #tpu.memory_space<vmem_shared>>) offsets(%dma_start3A_163 : memref<125xi32, #tpu.memory_space<vmem>>) semaphore(%run_scoped3A_160 : memref<!tpu.dma_semaphore, #tpu.memory_space<semaphore_mem>>) {add = true}
        %dma_wait3A_167 = arith.constant 0 : i32
        %dma_wait3A_168 = tpu.memref_slice %arg6[%mul3A_124, %dma_wait3A_167] : memref<40x125xi32, #tpu.memory_space<vmem>> -> memref<1x125xi32, #tpu.memory_space<vmem>>
        %dma_wait3A_169 = tpu.memref_squeeze %dma_wait3A_168 : memref<1x125xi32, #tpu.memory_space<vmem>> -> memref<125xi32, #tpu.memory_space<vmem>>
        %dma_wait3A_170 = arith.constant 0 : i32
        %dma_wait3A_171 = arith.constant 0 : i32
        %dma_wait3A_172 = tpu.memref_slice %arg9[%dma_wait3A_170, %dma_wait3A_171] : memref<10000x128xf32, #tpu.memory_space<vmem_shared>> -> memref<10000x128xf32, #tpu.memory_space<vmem_shared>>
        tpu.wait_indirect_dma semaphore(%run_scoped3A_160 : memref<!tpu.dma_semaphore, #tpu.memory_space<semaphore_mem>>) src(%arg7 : memref<125x128xf32, #tpu.memory_space<vmem>>) dst(%dma_wait3A_172 : memref<10000x128xf32, #tpu.memory_space<vmem_shared>>)
        tpu.yield
      }) : () -> ()
      %add3A_132 = arith.constant 2 : i32
      %add3A_133 = arith.addi %mul3A_124, %add3A_132 : i32
      %min3A = arith.constant 39 : i32
      %min3A_134 = arith.minsi %add3A_133, %min3A : i32
      %dma_start3A_135 = arith.constant 0 : i32
      %dma_start3A_136 = tpu.memref_slice %arg5[%min3A_134, %dma_start3A_135] : memref<40x125xi32, #tpu.memory_space<vmem>> -> memref<1x125xi32, #tpu.memory_space<vmem>>
      %dma_start3A_137 = tpu.memref_squeeze %dma_start3A_136 : memref<1x125xi32, #tpu.memory_space<vmem>> -> memref<125xi32, #tpu.memory_space<vmem>>
      %dma_start3A_138 = arith.constant 0 : i32
      %dma_start3A_139 = arith.constant 0 : i32
      %dma_start3A_140 = tpu.memref_slice %arg2[%dma_start3A_138, %dma_start3A_139] : memref<10000x128xf32, #tpu.memory_space<hbm>> -> memref<10000x128xf32, #tpu.memory_space<hbm>>
      tpu.enqueue_indirect_dma source(%dma_start3A_140 : memref<10000x128xf32, #tpu.memory_space<hbm>>) target(%arg7 : memref<125x128xf32, #tpu.memory_space<vmem>>) offsets(%dma_start3A_137 : memref<125xi32, #tpu.memory_space<vmem>>) semaphore(%arg10 : memref<!tpu.dma_semaphore, #tpu.memory_space<semaphore_mem>>)
      %dma_wait3A_141 = arith.constant 0 : i32
      %dma_wait3A_142 = arith.constant 0 : i32
      %dma_wait3A_143 = tpu.memref_slice %arg5[%dma_wait3A_141, %dma_wait3A_142] : memref<40x125xi32, #tpu.memory_space<vmem>> -> memref<1x125xi32, #tpu.memory_space<vmem>>
      %dma_wait3A_144 = tpu.memref_squeeze %dma_wait3A_143 : memref<1x125xi32, #tpu.memory_space<vmem>> -> memref<125xi32, #tpu.memory_space<vmem>>
      %dma_wait3A_145 = arith.constant 0 : i32
      %dma_wait3A_146 = arith.constant 0 : i32
      %dma_wait3A_147 = tpu.memref_slice %arg2[%dma_wait3A_145, %dma_wait3A_146] : memref<10000x128xf32, #tpu.memory_space<hbm>> -> memref<10000x128xf32, #tpu.memory_space<hbm>>
      tpu.wait_indirect_dma semaphore(%arg11 : memref<!tpu.dma_semaphore, #tpu.memory_space<semaphore_mem>>) src(%dma_wait3A_147 : memref<10000x128xf32, #tpu.memory_space<hbm>>) dst(%arg8 : memref<125x128xf32, #tpu.memory_space<vmem>>)
      %add3A_148 = arith.constant 1 : i32
      %add3A_149 = arith.addi %mul3A_124, %add3A_148 : i32
      "tpu.region"() ({
        %run_scoped3A_160 = tpu.sem_alloc : memref<!tpu.dma_semaphore, #tpu.memory_space<semaphore_mem>>
        %dma_start3A_161 = arith.constant 0 : i32
        %dma_start3A_162 = tpu.memref_slice %arg6[%add3A_149, %dma_start3A_161] : memref<40x125xi32, #tpu.memory_space<vmem>> -> memref<1x125xi32, #tpu.memory_space<vmem>>
        %dma_start3A_163 = tpu.memref_squeeze %dma_start3A_162 : memref<1x125xi32, #tpu.memory_space<vmem>> -> memref<125xi32, #tpu.memory_space<vmem>>
        %dma_start3A_164 = arith.constant 0 : i32
        %dma_start3A_165 = arith.constant 0 : i32
        %dma_start3A_166 = tpu.memref_slice %arg9[%dma_start3A_164, %dma_start3A_165] : memref<10000x128xf32, #tpu.memory_space<vmem_shared>> -> memref<10000x128xf32, #tpu.memory_space<vmem_shared>>
        tpu.enqueue_indirect_dma source(%arg8 : memref<125x128xf32, #tpu.memory_space<vmem>>) target(%dma_start3A_166 : memref<10000x128xf32, #tpu.memory_space<vmem_shared>>) offsets(%dma_start3A_163 : memref<125xi32, #tpu.memory_space<vmem>>) semaphore(%run_scoped3A_160 : memref<!tpu.dma_semaphore, #tpu.memory_space<semaphore_mem>>) {add = true}
        %dma_wait3A_167 = arith.constant 0 : i32
        %dma_wait3A_168 = tpu.memref_slice %arg6[%add3A_149, %dma_wait3A_167] : memref<40x125xi32, #tpu.memory_space<vmem>> -> memref<1x125xi32, #tpu.memory_space<vmem>>
        %dma_wait3A_169 = tpu.memref_squeeze %dma_wait3A_168 : memref<1x125xi32, #tpu.memory_space<vmem>> -> memref<125xi32, #tpu.memory_space<vmem>>
        %dma_wait3A_170 = arith.constant 0 : i32
        %dma_wait3A_171 = arith.constant 0 : i32
        %dma_wait3A_172 = tpu.memref_slice %arg9[%dma_wait3A_170, %dma_wait3A_171] : memref<10000x128xf32, #tpu.memory_space<vmem_shared>> -> memref<10000x128xf32, #tpu.memory_space<vmem_shared>>
        tpu.wait_indirect_dma semaphore(%run_scoped3A_160 : memref<!tpu.dma_semaphore, #tpu.memory_space<semaphore_mem>>) src(%arg8 : memref<125x128xf32, #tpu.memory_space<vmem>>) dst(%dma_wait3A_172 : memref<10000x128xf32, #tpu.memory_space<vmem_shared>>)
        tpu.yield
      }) : () -> ()
      %add3A_150 = arith.constant 3 : i32
      %add3A_151 = arith.addi %mul3A_124, %add3A_150 : i32
      %min3A_152 = arith.constant 39 : i32
      %min3A_153 = arith.minsi %add3A_151, %min3A_152 : i32
      %dma_start3A_154 = arith.constant 0 : i32
      %dma_start3A_155 = tpu.memref_slice %arg5[%min3A_153, %dma_start3A_154] : memref<40x125xi32, #tpu.memory_space<vmem>> -> memref<1x125xi32, #tpu.memory_space<vmem>>
      %dma_start3A_156 = tpu.memref_squeeze %dma_start3A_155 : memref<1x125xi32, #tpu.memory_space<vmem>> -> memref<125xi32, #tpu.memory_space<vmem>>
      %dma_start3A_157 = arith.constant 0 : i32
      %dma_start3A_158 = arith.constant 0 : i32
      %dma_start3A_159 = tpu.memref_slice %arg2[%dma_start3A_157, %dma_start3A_158] : memref<10000x128xf32, #tpu.memory_space<hbm>> -> memref<10000x128xf32, #tpu.memory_space<hbm>>
      tpu.enqueue_indirect_dma source(%dma_start3A_159 : memref<10000x128xf32, #tpu.memory_space<hbm>>) target(%arg8 : memref<125x128xf32, #tpu.memory_space<vmem>>) offsets(%dma_start3A_156 : memref<125xi32, #tpu.memory_space<vmem>>) semaphore(%arg11 : memref<!tpu.dma_semaphore, #tpu.memory_space<semaphore_mem>>)
    }
    %scan3A_99 = arith.constant 20 : i32
    %dma_wait3A_100 = arith.constant 0 : i32
    %dma_wait3A_101 = arith.constant 0 : i32
    %dma_wait3A_102 = tpu.memref_slice %arg5[%dma_wait3A_100, %dma_wait3A_101] : memref<40x125xi32, #tpu.memory_space<vmem>> -> memref<1x125xi32, #tpu.memory_space<vmem>>
    %dma_wait3A_103 = tpu.memref_squeeze %dma_wait3A_102 : memref<1x125xi32, #tpu.memory_space<vmem>> -> memref<125xi32, #tpu.memory_space<vmem>>
    %dma_wait3A_104 = arith.constant 0 : i32
    %dma_wait3A_105 = arith.constant 0 : i32
    %dma_wait3A_106 = tpu.memref_slice %arg2[%dma_wait3A_104, %dma_wait3A_105] : memref<10000x128xf32, #tpu.memory_space<hbm>> -> memref<10000x128xf32, #tpu.memory_space<hbm>>
    tpu.wait_indirect_dma semaphore(%arg10 : memref<!tpu.dma_semaphore, #tpu.memory_space<semaphore_mem>>) src(%dma_wait3A_106 : memref<10000x128xf32, #tpu.memory_space<hbm>>) dst(%arg7 : memref<125x128xf32, #tpu.memory_space<vmem>>)
    %dma_wait3A_107 = arith.constant 0 : i32
    %dma_wait3A_108 = arith.constant 0 : i32
    %dma_wait3A_109 = tpu.memref_slice %arg5[%dma_wait3A_107, %dma_wait3A_108] : memref<40x125xi32, #tpu.memory_space<vmem>> -> memref<1x125xi32, #tpu.memory_space<vmem>>
    %dma_wait3A_110 = tpu.memref_squeeze %dma_wait3A_109 : memref<1x125xi32, #tpu.memory_space<vmem>> -> memref<125xi32, #tpu.memory_space<vmem>>
    %dma_wait3A_111 = arith.constant 0 : i32
    %dma_wait3A_112 = arith.constant 0 : i32
    %dma_wait3A_113 = tpu.memref_slice %arg2[%dma_wait3A_111, %dma_wait3A_112] : memref<10000x128xf32, #tpu.memory_space<hbm>> -> memref<10000x128xf32, #tpu.memory_space<hbm>>
    tpu.wait_indirect_dma semaphore(%arg11 : memref<!tpu.dma_semaphore, #tpu.memory_space<semaphore_mem>>) src(%dma_wait3A_113 : memref<10000x128xf32, #tpu.memory_space<hbm>>) dst(%arg8 : memref<125x128xf32, #tpu.memory_space<vmem>>)
    %barrier3A_114 = arith.constant 0 : index
    tpu.barrier barrier_id(%barrier3A_114)
    %mul3A_115 = arith.constant 625 : i32
    %mul3A_116 = arith.muli %arg1, %mul3A_115 : i32
    %mul3A_117 = arith.constant 10000 : i32
    %mul3A_118 = arith.muli %arg0, %mul3A_117 : i32
    %mul3A_119 = arith.constant 625 : i32
    %mul3A_120 = arith.muli %arg1, %mul3A_119 : i32
    %add3A_121 = arith.addi %mul3A_118, %mul3A_120 : i32
    "tpu.region"() ({
      %run_scoped3A_122 = tpu.sem_alloc : memref<!tpu.dma_semaphore, #tpu.memory_space<semaphore_mem>>
      %dma_start3A_123 = arith.constant 0 : i32
      %dma_start3A_124 = tpu.memref_slice %arg4[%add3A_121, %dma_start3A_123] : memref<20000x128xf32, #tpu.memory_space<hbm>> -> memref<625x128xf32, #tpu.memory_space<hbm>>
      %dma_start3A_125 = arith.constant 0 : i32
      %dma_start3A_126 = tpu.memref_slice %arg9[%mul3A_116, %dma_start3A_125] : memref<10000x128xf32, #tpu.memory_space<vmem_shared>> -> memref<625x128xf32, #tpu.memory_space<vmem_shared>>
      tpu.enqueue_dma source(%dma_start3A_126 : memref<625x128xf32, #tpu.memory_space<vmem_shared>>) target(%dma_start3A_124 : memref<625x128xf32, #tpu.memory_space<hbm>>) target_semaphore(%run_scoped3A_122 : memref<!tpu.dma_semaphore, #tpu.memory_space<semaphore_mem>>)
      %dma_wait3A_127 = arith.constant 0 : i32
      %dma_wait3A_128 = tpu.memref_slice %arg4[%add3A_121, %dma_wait3A_127] : memref<20000x128xf32, #tpu.memory_space<hbm>> -> memref<625x128xf32, #tpu.memory_space<hbm>>
      %dma_wait3A_129 = arith.constant 0 : i32
      %dma_wait3A_130 = tpu.memref_slice %arg9[%mul3A_116, %dma_wait3A_129] : memref<10000x128xf32, #tpu.memory_space<vmem_shared>> -> memref<625x128xf32, #tpu.memory_space<vmem_shared>>
      tpu.wait_dma2 semaphore(%run_scoped3A_122 : memref<!tpu.dma_semaphore, #tpu.memory_space<semaphore_mem>>) src(%dma_wait3A_130 : memref<625x128xf32, #tpu.memory_space<vmem_shared>>) dst(%dma_wait3A_128 : memref<625x128xf32, #tpu.memory_space<hbm>>)
      tpu.yield
    }) : () -> ()
    return
  }
}

#map = affine_map<(d0, d1) -> (0, 0)>
#map1 = affine_map<(d0, d1) -> (0, 0, 0)>
module attributes {stable_mosaic.version = 14 : i64} {
  func.func @spmm(%arg0: i32, %arg1: i32, %arg2: memref<10000x64xf32, #tpu.memory_space<hbm>>, %arg3: memref<2x2560x125xi32, #tpu.memory_space<hbm>>, %arg4: memref<20000x64xf32, #tpu.memory_space<hbm>>, %arg5: memref<80x125xi32, #tpu.memory_space<vmem>>, %arg6: memref<80x125xi32, #tpu.memory_space<vmem>>, %arg7: memref<125x64xf32, #tpu.memory_space<vmem>>, %arg8: memref<125x64xf32, #tpu.memory_space<vmem>>, %arg9: memref<125x64xf32, #tpu.memory_space<vmem>>, %arg10: memref<125x64xf32, #tpu.memory_space<vmem>>, %arg11: memref<!tpu.dma_semaphore, #tpu.memory_space<semaphore_mem>>, %arg12: memref<!tpu.dma_semaphore, #tpu.memory_space<semaphore_mem>>, %arg13: memref<!tpu.dma_semaphore, #tpu.memory_space<semaphore_mem>>, %arg14: memref<!tpu.dma_semaphore, #tpu.memory_space<semaphore_mem>>, %arg15: memref<10000x64xf32, #tpu.memory_space<vmem_shared>>) attributes {dimension_semantics = [#tpu.dimension_semantics<core_parallel>, #tpu.dimension_semantics<subcore_parallel>], iteration_bounds = array<i64: 2, 16>, scalar_prefetch = 0 : i64, scratch_operands = 11 : i64, tpu.core_type = #tpu.core_type<sc_vector_subcore>, window_params = [{transform_indices = #map}, {transform_indices = #map1}, {transform_indices = #map}]} {
    %mul3A = arith.constant 16 : i32
    %mul3A_0 = arith.muli %arg0, %mul3A : i32
    %add3A = arith.addi %mul3A_0, %arg1 : i32
    %broadcast_in_dim3A = arith.constant 0.000000e+00 : f32
    %broadcast_in_dim3A_1 = vector.broadcast %broadcast_in_dim3A : f32 to vector<16xf32>
    %scan3A = arith.constant 0 : i32
    %scan3A_2 = arith.constant 0 : i32
    %scan3A_3 = arith.constant 125 : i32
    %scan3A_4 = arith.addi %scan3A_2, %scan3A_3 : i32
    %scan3A_5 = arith.constant 1 : i32
    scf.for %scan3A_108 = %scan3A_2 to %scan3A_4 step %scan3A_5  : i32 {
      %swap3A = arith.index_cast %scan3A_108 : i32 to index
      %swap3A_109 = arith.constant 0 : index
      %swap3A_110 = tpu.vector_load %arg7[%swap3A, %swap3A_109] {strides = array<i32>} : memref<125x64xf32, #tpu.memory_space<vmem>>, vector<1x16xf32>,
      %swap3A_111 = vector.shape_cast %swap3A_110 : vector<1x16xf32> to vector<16xf32>
      %swap3A_112 = vector.shape_cast %broadcast_in_dim3A_1 : vector<16xf32> to vector<1x16xf32>
      tpu.vector_store %arg7[%swap3A, %swap3A_109], %swap3A_112 {strides = array<i32>} : memref<125x64xf32, #tpu.memory_space<vmem>>, vector<1x16xf32>,
      %swap3A_113 = arith.index_cast %scan3A_108 : i32 to index
      %swap3A_114 = arith.constant 16 : index
      %swap3A_115 = tpu.vector_load %arg7[%swap3A_113, %swap3A_114] {strides = array<i32>} : memref<125x64xf32, #tpu.memory_space<vmem>>, vector<1x16xf32>,
      %swap3A_116 = vector.shape_cast %swap3A_115 : vector<1x16xf32> to vector<16xf32>
      %swap3A_117 = vector.shape_cast %broadcast_in_dim3A_1 : vector<16xf32> to vector<1x16xf32>
      tpu.vector_store %arg7[%swap3A_113, %swap3A_114], %swap3A_117 {strides = array<i32>} : memref<125x64xf32, #tpu.memory_space<vmem>>, vector<1x16xf32>,
      %swap3A_118 = arith.index_cast %scan3A_108 : i32 to index
      %swap3A_119 = arith.constant 32 : index
      %swap3A_120 = tpu.vector_load %arg7[%swap3A_118, %swap3A_119] {strides = array<i32>} : memref<125x64xf32, #tpu.memory_space<vmem>>, vector<1x16xf32>,
      %swap3A_121 = vector.shape_cast %swap3A_120 : vector<1x16xf32> to vector<16xf32>
      %swap3A_122 = vector.shape_cast %broadcast_in_dim3A_1 : vector<16xf32> to vector<1x16xf32>
      tpu.vector_store %arg7[%swap3A_118, %swap3A_119], %swap3A_122 {strides = array<i32>} : memref<125x64xf32, #tpu.memory_space<vmem>>, vector<1x16xf32>,
      %swap3A_123 = arith.index_cast %scan3A_108 : i32 to index
      %swap3A_124 = arith.constant 48 : index
      %swap3A_125 = tpu.vector_load %arg7[%swap3A_123, %swap3A_124] {strides = array<i32>} : memref<125x64xf32, #tpu.memory_space<vmem>>, vector<1x16xf32>,
      %swap3A_126 = vector.shape_cast %swap3A_125 : vector<1x16xf32> to vector<16xf32>
      %swap3A_127 = vector.shape_cast %broadcast_in_dim3A_1 : vector<16xf32> to vector<1x16xf32>
      tpu.vector_store %arg7[%swap3A_123, %swap3A_124], %swap3A_127 {strides = array<i32>} : memref<125x64xf32, #tpu.memory_space<vmem>>, vector<1x16xf32>,
    }
    %scan3A_6 = arith.constant 125 : i32
    %mul3A_7 = arith.constant 5 : i32
    %mul3A_8 = arith.muli %arg1, %mul3A_7 : i32
    %add3A_9 = arith.constant 0 : i32
    %add3A_10 = arith.addi %mul3A_8, %add3A_9 : i32
    %mul3A_11 = arith.constant 125 : i32
    %mul3A_12 = arith.muli %add3A_10, %mul3A_11 : i32
    "tpu.region"() ({
      %run_scoped3A_108 = tpu.sem_alloc : memref<!tpu.dma_semaphore, #tpu.memory_space<semaphore_mem>>
      %dma_start3A_109 = arith.constant 0 : i32
      %dma_start3A_110 = tpu.memref_slice %arg15[%mul3A_12, %dma_start3A_109] : memref<10000x64xf32, #tpu.memory_space<vmem_shared>> -> memref<125x64xf32, #tpu.memory_space<vmem_shared>>
      %dma_start3A_111 = arith.constant 0 : i32
      %dma_start3A_112 = tpu.memref_slice %arg15[%mul3A_12, %dma_start3A_111] : memref<10000x64xf32, #tpu.memory_space<vmem_shared>> -> memref<125x64xf32, #tpu.memory_space<vmem_shared>>
      tpu.enqueue_dma source(%arg7 : memref<125x64xf32, #tpu.memory_space<vmem>>) target(%dma_start3A_112 : memref<125x64xf32, #tpu.memory_space<vmem_shared>>) target_semaphore(%run_scoped3A_108 : memref<!tpu.dma_semaphore, #tpu.memory_space<semaphore_mem>>)
      %dma_wait3A_113 = arith.constant 0 : i32
      %dma_wait3A_114 = tpu.memref_slice %arg15[%mul3A_12, %dma_wait3A_113] : memref<10000x64xf32, #tpu.memory_space<vmem_shared>> -> memref<125x64xf32, #tpu.memory_space<vmem_shared>>
      %dma_wait3A_115 = arith.constant 0 : i32
      %dma_wait3A_116 = tpu.memref_slice %arg15[%mul3A_12, %dma_wait3A_115] : memref<10000x64xf32, #tpu.memory_space<vmem_shared>> -> memref<125x64xf32, #tpu.memory_space<vmem_shared>>
      tpu.wait_dma2 semaphore(%run_scoped3A_108 : memref<!tpu.dma_semaphore, #tpu.memory_space<semaphore_mem>>) src(%arg7 : memref<125x64xf32, #tpu.memory_space<vmem>>) dst(%dma_wait3A_116 : memref<125x64xf32, #tpu.memory_space<vmem_shared>>)
      tpu.yield
    }) : () -> ()
    %mul3A_13 = arith.constant 5 : i32
    %mul3A_14 = arith.muli %arg1, %mul3A_13 : i32
    %add3A_15 = arith.constant 1 : i32
    %add3A_16 = arith.addi %mul3A_14, %add3A_15 : i32
    %mul3A_17 = arith.constant 125 : i32
    %mul3A_18 = arith.muli %add3A_16, %mul3A_17 : i32
    "tpu.region"() ({
      %run_scoped3A_108 = tpu.sem_alloc : memref<!tpu.dma_semaphore, #tpu.memory_space<semaphore_mem>>
      %dma_start3A_109 = arith.constant 0 : i32
      %dma_start3A_110 = tpu.memref_slice %arg15[%mul3A_18, %dma_start3A_109] : memref<10000x64xf32, #tpu.memory_space<vmem_shared>> -> memref<125x64xf32, #tpu.memory_space<vmem_shared>>
      %dma_start3A_111 = arith.constant 0 : i32
      %dma_start3A_112 = tpu.memref_slice %arg15[%mul3A_18, %dma_start3A_111] : memref<10000x64xf32, #tpu.memory_space<vmem_shared>> -> memref<125x64xf32, #tpu.memory_space<vmem_shared>>
      tpu.enqueue_dma source(%arg7 : memref<125x64xf32, #tpu.memory_space<vmem>>) target(%dma_start3A_112 : memref<125x64xf32, #tpu.memory_space<vmem_shared>>) target_semaphore(%run_scoped3A_108 : memref<!tpu.dma_semaphore, #tpu.memory_space<semaphore_mem>>)
      %dma_wait3A_113 = arith.constant 0 : i32
      %dma_wait3A_114 = tpu.memref_slice %arg15[%mul3A_18, %dma_wait3A_113] : memref<10000x64xf32, #tpu.memory_space<vmem_shared>> -> memref<125x64xf32, #tpu.memory_space<vmem_shared>>
      %dma_wait3A_115 = arith.constant 0 : i32
      %dma_wait3A_116 = tpu.memref_slice %arg15[%mul3A_18, %dma_wait3A_115] : memref<10000x64xf32, #tpu.memory_space<vmem_shared>> -> memref<125x64xf32, #tpu.memory_space<vmem_shared>>
      tpu.wait_dma2 semaphore(%run_scoped3A_108 : memref<!tpu.dma_semaphore, #tpu.memory_space<semaphore_mem>>) src(%arg7 : memref<125x64xf32, #tpu.memory_space<vmem>>) dst(%dma_wait3A_116 : memref<125x64xf32, #tpu.memory_space<vmem_shared>>)
      tpu.yield
    }) : () -> ()
    %mul3A_19 = arith.constant 5 : i32
    %mul3A_20 = arith.muli %arg1, %mul3A_19 : i32
    %add3A_21 = arith.constant 2 : i32
    %add3A_22 = arith.addi %mul3A_20, %add3A_21 : i32
    %mul3A_23 = arith.constant 125 : i32
    %mul3A_24 = arith.muli %add3A_22, %mul3A_23 : i32
    "tpu.region"() ({
      %run_scoped3A_108 = tpu.sem_alloc : memref<!tpu.dma_semaphore, #tpu.memory_space<semaphore_mem>>
      %dma_start3A_109 = arith.constant 0 : i32
      %dma_start3A_110 = tpu.memref_slice %arg15[%mul3A_24, %dma_start3A_109] : memref<10000x64xf32, #tpu.memory_space<vmem_shared>> -> memref<125x64xf32, #tpu.memory_space<vmem_shared>>
      %dma_start3A_111 = arith.constant 0 : i32
      %dma_start3A_112 = tpu.memref_slice %arg15[%mul3A_24, %dma_start3A_111] : memref<10000x64xf32, #tpu.memory_space<vmem_shared>> -> memref<125x64xf32, #tpu.memory_space<vmem_shared>>
      tpu.enqueue_dma source(%arg7 : memref<125x64xf32, #tpu.memory_space<vmem>>) target(%dma_start3A_112 : memref<125x64xf32, #tpu.memory_space<vmem_shared>>) target_semaphore(%run_scoped3A_108 : memref<!tpu.dma_semaphore, #tpu.memory_space<semaphore_mem>>)
      %dma_wait3A_113 = arith.constant 0 : i32
      %dma_wait3A_114 = tpu.memref_slice %arg15[%mul3A_24, %dma_wait3A_113] : memref<10000x64xf32, #tpu.memory_space<vmem_shared>> -> memref<125x64xf32, #tpu.memory_space<vmem_shared>>
      %dma_wait3A_115 = arith.constant 0 : i32
      %dma_wait3A_116 = tpu.memref_slice %arg15[%mul3A_24, %dma_wait3A_115] : memref<10000x64xf32, #tpu.memory_space<vmem_shared>> -> memref<125x64xf32, #tpu.memory_space<vmem_shared>>
      tpu.wait_dma2 semaphore(%run_scoped3A_108 : memref<!tpu.dma_semaphore, #tpu.memory_space<semaphore_mem>>) src(%arg7 : memref<125x64xf32, #tpu.memory_space<vmem>>) dst(%dma_wait3A_116 : memref<125x64xf32, #tpu.memory_space<vmem_shared>>)
      tpu.yield
    }) : () -> ()
    %mul3A_25 = arith.constant 5 : i32
    %mul3A_26 = arith.muli %arg1, %mul3A_25 : i32
    %add3A_27 = arith.constant 3 : i32
    %add3A_28 = arith.addi %mul3A_26, %add3A_27 : i32
    %mul3A_29 = arith.constant 125 : i32
    %mul3A_30 = arith.muli %add3A_28, %mul3A_29 : i32
    "tpu.region"() ({
      %run_scoped3A_108 = tpu.sem_alloc : memref<!tpu.dma_semaphore, #tpu.memory_space<semaphore_mem>>
      %dma_start3A_109 = arith.constant 0 : i32
      %dma_start3A_110 = tpu.memref_slice %arg15[%mul3A_30, %dma_start3A_109] : memref<10000x64xf32, #tpu.memory_space<vmem_shared>> -> memref<125x64xf32, #tpu.memory_space<vmem_shared>>
      %dma_start3A_111 = arith.constant 0 : i32
      %dma_start3A_112 = tpu.memref_slice %arg15[%mul3A_30, %dma_start3A_111] : memref<10000x64xf32, #tpu.memory_space<vmem_shared>> -> memref<125x64xf32, #tpu.memory_space<vmem_shared>>
      tpu.enqueue_dma source(%arg7 : memref<125x64xf32, #tpu.memory_space<vmem>>) target(%dma_start3A_112 : memref<125x64xf32, #tpu.memory_space<vmem_shared>>) target_semaphore(%run_scoped3A_108 : memref<!tpu.dma_semaphore, #tpu.memory_space<semaphore_mem>>)
      %dma_wait3A_113 = arith.constant 0 : i32
      %dma_wait3A_114 = tpu.memref_slice %arg15[%mul3A_30, %dma_wait3A_113] : memref<10000x64xf32, #tpu.memory_space<vmem_shared>> -> memref<125x64xf32, #tpu.memory_space<vmem_shared>>
      %dma_wait3A_115 = arith.constant 0 : i32
      %dma_wait3A_116 = tpu.memref_slice %arg15[%mul3A_30, %dma_wait3A_115] : memref<10000x64xf32, #tpu.memory_space<vmem_shared>> -> memref<125x64xf32, #tpu.memory_space<vmem_shared>>
      tpu.wait_dma2 semaphore(%run_scoped3A_108 : memref<!tpu.dma_semaphore, #tpu.memory_space<semaphore_mem>>) src(%arg7 : memref<125x64xf32, #tpu.memory_space<vmem>>) dst(%dma_wait3A_116 : memref<125x64xf32, #tpu.memory_space<vmem_shared>>)
      tpu.yield
    }) : () -> ()
    %mul3A_31 = arith.constant 5 : i32
    %mul3A_32 = arith.muli %arg1, %mul3A_31 : i32
    %add3A_33 = arith.constant 4 : i32
    %add3A_34 = arith.addi %mul3A_32, %add3A_33 : i32
    %mul3A_35 = arith.constant 125 : i32
    %mul3A_36 = arith.muli %add3A_34, %mul3A_35 : i32
    "tpu.region"() ({
      %run_scoped3A_108 = tpu.sem_alloc : memref<!tpu.dma_semaphore, #tpu.memory_space<semaphore_mem>>
      %dma_start3A_109 = arith.constant 0 : i32
      %dma_start3A_110 = tpu.memref_slice %arg15[%mul3A_36, %dma_start3A_109] : memref<10000x64xf32, #tpu.memory_space<vmem_shared>> -> memref<125x64xf32, #tpu.memory_space<vmem_shared>>
      %dma_start3A_111 = arith.constant 0 : i32
      %dma_start3A_112 = tpu.memref_slice %arg15[%mul3A_36, %dma_start3A_111] : memref<10000x64xf32, #tpu.memory_space<vmem_shared>> -> memref<125x64xf32, #tpu.memory_space<vmem_shared>>
      tpu.enqueue_dma source(%arg7 : memref<125x64xf32, #tpu.memory_space<vmem>>) target(%dma_start3A_112 : memref<125x64xf32, #tpu.memory_space<vmem_shared>>) target_semaphore(%run_scoped3A_108 : memref<!tpu.dma_semaphore, #tpu.memory_space<semaphore_mem>>)
      %dma_wait3A_113 = arith.constant 0 : i32
      %dma_wait3A_114 = tpu.memref_slice %arg15[%mul3A_36, %dma_wait3A_113] : memref<10000x64xf32, #tpu.memory_space<vmem_shared>> -> memref<125x64xf32, #tpu.memory_space<vmem_shared>>
      %dma_wait3A_115 = arith.constant 0 : i32
      %dma_wait3A_116 = tpu.memref_slice %arg15[%mul3A_36, %dma_wait3A_115] : memref<10000x64xf32, #tpu.memory_space<vmem_shared>> -> memref<125x64xf32, #tpu.memory_space<vmem_shared>>
      tpu.wait_dma2 semaphore(%run_scoped3A_108 : memref<!tpu.dma_semaphore, #tpu.memory_space<semaphore_mem>>) src(%arg7 : memref<125x64xf32, #tpu.memory_space<vmem>>) dst(%dma_wait3A_116 : memref<125x64xf32, #tpu.memory_space<vmem_shared>>)
      tpu.yield
    }) : () -> ()
    %mul3A_37 = arith.constant 80 : i32
    %mul3A_38 = arith.muli %add3A, %mul3A_37 : i32
    %run_scoped3A = arith.constant 0 : i32
    "tpu.region"() ({
      %run_scoped3A_108 = tpu.sem_alloc : memref<!tpu.dma_semaphore, #tpu.memory_space<semaphore_mem>>
      %dma_start3A_109 = arith.constant 0 : i32
      %dma_start3A_110 = tpu.memref_slice %arg3[%run_scoped3A, %mul3A_38, %dma_start3A_109] : memref<2x2560x125xi32, #tpu.memory_space<hbm>> -> memref<1x80x125xi32, #tpu.memory_space<hbm>>
      %dma_start3A_111 = tpu.memref_squeeze %dma_start3A_110 : memref<1x80x125xi32, #tpu.memory_space<hbm>> -> memref<80x125xi32, #tpu.memory_space<hbm>>
      %dma_start3A_112 = arith.constant 0 : i32
      %dma_start3A_113 = tpu.memref_slice %arg3[%run_scoped3A, %mul3A_38, %dma_start3A_112] : memref<2x2560x125xi32, #tpu.memory_space<hbm>> -> memref<1x80x125xi32, #tpu.memory_space<hbm>>
      %dma_start3A_114 = tpu.memref_squeeze %dma_start3A_113 : memref<1x80x125xi32, #tpu.memory_space<hbm>> -> memref<80x125xi32, #tpu.memory_space<hbm>>
      tpu.enqueue_dma source(%dma_start3A_114 : memref<80x125xi32, #tpu.memory_space<hbm>>) target(%arg5 : memref<80x125xi32, #tpu.memory_space<vmem>>) target_semaphore(%run_scoped3A_108 : memref<!tpu.dma_semaphore, #tpu.memory_space<semaphore_mem>>)
      %dma_wait3A_115 = arith.constant 0 : i32
      %dma_wait3A_116 = tpu.memref_slice %arg3[%run_scoped3A, %mul3A_38, %dma_wait3A_115] : memref<2x2560x125xi32, #tpu.memory_space<hbm>> -> memref<1x80x125xi32, #tpu.memory_space<hbm>>
      %dma_wait3A_117 = tpu.memref_squeeze %dma_wait3A_116 : memref<1x80x125xi32, #tpu.memory_space<hbm>> -> memref<80x125xi32, #tpu.memory_space<hbm>>
      %dma_wait3A_118 = arith.constant 0 : i32
      %dma_wait3A_119 = tpu.memref_slice %arg3[%run_scoped3A, %mul3A_38, %dma_wait3A_118] : memref<2x2560x125xi32, #tpu.memory_space<hbm>> -> memref<1x80x125xi32, #tpu.memory_space<hbm>>
      %dma_wait3A_120 = tpu.memref_squeeze %dma_wait3A_119 : memref<1x80x125xi32, #tpu.memory_space<hbm>> -> memref<80x125xi32, #tpu.memory_space<hbm>>
      tpu.wait_dma2 semaphore(%run_scoped3A_108 : memref<!tpu.dma_semaphore, #tpu.memory_space<semaphore_mem>>) src(%dma_wait3A_120 : memref<80x125xi32, #tpu.memory_space<hbm>>) dst(%arg5 : memref<80x125xi32, #tpu.memory_space<vmem>>)
      tpu.yield
    }) : () -> ()
    %run_scoped3A_39 = arith.constant 1 : i32
    "tpu.region"() ({
      %run_scoped3A_108 = tpu.sem_alloc : memref<!tpu.dma_semaphore, #tpu.memory_space<semaphore_mem>>
      %dma_start3A_109 = arith.constant 0 : i32
      %dma_start3A_110 = tpu.memref_slice %arg3[%run_scoped3A_39, %mul3A_38, %dma_start3A_109] : memref<2x2560x125xi32, #tpu.memory_space<hbm>> -> memref<1x80x125xi32, #tpu.memory_space<hbm>>
      %dma_start3A_111 = tpu.memref_squeeze %dma_start3A_110 : memref<1x80x125xi32, #tpu.memory_space<hbm>> -> memref<80x125xi32, #tpu.memory_space<hbm>>
      %dma_start3A_112 = arith.constant 0 : i32
      %dma_start3A_113 = tpu.memref_slice %arg3[%run_scoped3A_39, %mul3A_38, %dma_start3A_112] : memref<2x2560x125xi32, #tpu.memory_space<hbm>> -> memref<1x80x125xi32, #tpu.memory_space<hbm>>
      %dma_start3A_114 = tpu.memref_squeeze %dma_start3A_113 : memref<1x80x125xi32, #tpu.memory_space<hbm>> -> memref<80x125xi32, #tpu.memory_space<hbm>>
      tpu.enqueue_dma source(%dma_start3A_114 : memref<80x125xi32, #tpu.memory_space<hbm>>) target(%arg6 : memref<80x125xi32, #tpu.memory_space<vmem>>) target_semaphore(%run_scoped3A_108 : memref<!tpu.dma_semaphore, #tpu.memory_space<semaphore_mem>>)
      %dma_wait3A_115 = arith.constant 0 : i32
      %dma_wait3A_116 = tpu.memref_slice %arg3[%run_scoped3A_39, %mul3A_38, %dma_wait3A_115] : memref<2x2560x125xi32, #tpu.memory_space<hbm>> -> memref<1x80x125xi32, #tpu.memory_space<hbm>>
      %dma_wait3A_117 = tpu.memref_squeeze %dma_wait3A_116 : memref<1x80x125xi32, #tpu.memory_space<hbm>> -> memref<80x125xi32, #tpu.memory_space<hbm>>
      %dma_wait3A_118 = arith.constant 0 : i32
      %dma_wait3A_119 = tpu.memref_slice %arg3[%run_scoped3A_39, %mul3A_38, %dma_wait3A_118] : memref<2x2560x125xi32, #tpu.memory_space<hbm>> -> memref<1x80x125xi32, #tpu.memory_space<hbm>>
      %dma_wait3A_120 = tpu.memref_squeeze %dma_wait3A_119 : memref<1x80x125xi32, #tpu.memory_space<hbm>> -> memref<80x125xi32, #tpu.memory_space<hbm>>
      tpu.wait_dma2 semaphore(%run_scoped3A_108 : memref<!tpu.dma_semaphore, #tpu.memory_space<semaphore_mem>>) src(%dma_wait3A_120 : memref<80x125xi32, #tpu.memory_space<hbm>>) dst(%arg6 : memref<80x125xi32, #tpu.memory_space<vmem>>)
      tpu.yield
    }) : () -> ()
    %dma_start3A = arith.constant 0 : i32
    %dma_start3A_40 = arith.constant 0 : i32
    %dma_start3A_41 = tpu.memref_slice %arg5[%dma_start3A, %dma_start3A_40] : memref<80x125xi32, #tpu.memory_space<vmem>> -> memref<1x125xi32, #tpu.memory_space<vmem>>
    %dma_start3A_42 = tpu.memref_squeeze %dma_start3A_41 : memref<1x125xi32, #tpu.memory_space<vmem>> -> memref<125xi32, #tpu.memory_space<vmem>>
    %dma_start3A_43 = arith.constant 0 : i32
    %dma_start3A_44 = arith.constant 0 : i32
    %dma_start3A_45 = tpu.memref_slice %arg2[%dma_start3A_43, %dma_start3A_44] : memref<10000x64xf32, #tpu.memory_space<hbm>> -> memref<10000x64xf32, #tpu.memory_space<hbm>>
    tpu.enqueue_indirect_dma source(%dma_start3A_45 : memref<10000x64xf32, #tpu.memory_space<hbm>>) target(%arg7 : memref<125x64xf32, #tpu.memory_space<vmem>>) offsets(%dma_start3A_42 : memref<125xi32, #tpu.memory_space<vmem>>) semaphore(%arg11 : memref<!tpu.dma_semaphore, #tpu.memory_space<semaphore_mem>>)
    %dma_start3A_46 = arith.constant 1 : i32
    %dma_start3A_47 = arith.constant 0 : i32
    %dma_start3A_48 = tpu.memref_slice %arg5[%dma_start3A_46, %dma_start3A_47] : memref<80x125xi32, #tpu.memory_space<vmem>> -> memref<1x125xi32, #tpu.memory_space<vmem>>
    %dma_start3A_49 = tpu.memref_squeeze %dma_start3A_48 : memref<1x125xi32, #tpu.memory_space<vmem>> -> memref<125xi32, #tpu.memory_space<vmem>>
    %dma_start3A_50 = arith.constant 0 : i32
    %dma_start3A_51 = arith.constant 0 : i32
    %dma_start3A_52 = tpu.memref_slice %arg2[%dma_start3A_50, %dma_start3A_51] : memref<10000x64xf32, #tpu.memory_space<hbm>> -> memref<10000x64xf32, #tpu.memory_space<hbm>>
    tpu.enqueue_indirect_dma source(%dma_start3A_52 : memref<10000x64xf32, #tpu.memory_space<hbm>>) target(%arg8 : memref<125x64xf32, #tpu.memory_space<vmem>>) offsets(%dma_start3A_49 : memref<125xi32, #tpu.memory_space<vmem>>) semaphore(%arg12 : memref<!tpu.dma_semaphore, #tpu.memory_space<semaphore_mem>>)
    %dma_start3A_53 = arith.constant 2 : i32
    %dma_start3A_54 = arith.constant 0 : i32
    %dma_start3A_55 = tpu.memref_slice %arg5[%dma_start3A_53, %dma_start3A_54] : memref<80x125xi32, #tpu.memory_space<vmem>> -> memref<1x125xi32, #tpu.memory_space<vmem>>
    %dma_start3A_56 = tpu.memref_squeeze %dma_start3A_55 : memref<1x125xi32, #tpu.memory_space<vmem>> -> memref<125xi32, #tpu.memory_space<vmem>>
    %dma_start3A_57 = arith.constant 0 : i32
    %dma_start3A_58 = arith.constant 0 : i32
    %dma_start3A_59 = tpu.memref_slice %arg2[%dma_start3A_57, %dma_start3A_58] : memref<10000x64xf32, #tpu.memory_space<hbm>> -> memref<10000x64xf32, #tpu.memory_space<hbm>>
    tpu.enqueue_indirect_dma source(%dma_start3A_59 : memref<10000x64xf32, #tpu.memory_space<hbm>>) target(%arg9 : memref<125x64xf32, #tpu.memory_space<vmem>>) offsets(%dma_start3A_56 : memref<125xi32, #tpu.memory_space<vmem>>) semaphore(%arg13 : memref<!tpu.dma_semaphore, #tpu.memory_space<semaphore_mem>>)
    %dma_start3A_60 = arith.constant 3 : i32
    %dma_start3A_61 = arith.constant 0 : i32
    %dma_start3A_62 = tpu.memref_slice %arg5[%dma_start3A_60, %dma_start3A_61] : memref<80x125xi32, #tpu.memory_space<vmem>> -> memref<1x125xi32, #tpu.memory_space<vmem>>
    %dma_start3A_63 = tpu.memref_squeeze %dma_start3A_62 : memref<1x125xi32, #tpu.memory_space<vmem>> -> memref<125xi32, #tpu.memory_space<vmem>>
    %dma_start3A_64 = arith.constant 0 : i32
    %dma_start3A_65 = arith.constant 0 : i32
    %dma_start3A_66 = tpu.memref_slice %arg2[%dma_start3A_64, %dma_start3A_65] : memref<10000x64xf32, #tpu.memory_space<hbm>> -> memref<10000x64xf32, #tpu.memory_space<hbm>>
    tpu.enqueue_indirect_dma source(%dma_start3A_66 : memref<10000x64xf32, #tpu.memory_space<hbm>>) target(%arg10 : memref<125x64xf32, #tpu.memory_space<vmem>>) offsets(%dma_start3A_63 : memref<125xi32, #tpu.memory_space<vmem>>) semaphore(%arg14 : memref<!tpu.dma_semaphore, #tpu.memory_space<semaphore_mem>>)
    %barrier3A = arith.constant 0 : index
    tpu.barrier barrier_id(%barrier3A)
    %scan3A_67 = arith.constant 0 : i32
    %scan3A_68 = arith.constant 0 : i32
    %scan3A_69 = arith.constant 20 : i32
    %scan3A_70 = arith.addi %scan3A_68, %scan3A_69 : i32
    %scan3A_71 = arith.constant 1 : i32
    scf.for %scan3A_108 = %scan3A_68 to %scan3A_70 step %scan3A_71  : i32 {
      %mul3A_109 = arith.constant 4 : i32
      %mul3A_110 = arith.muli %mul3A_109, %scan3A_108 : i32
      %dma_wait3A_111 = arith.constant 0 : i32
      %dma_wait3A_112 = arith.constant 0 : i32
      %dma_wait3A_113 = tpu.memref_slice %arg5[%dma_wait3A_111, %dma_wait3A_112] : memref<80x125xi32, #tpu.memory_space<vmem>> -> memref<1x125xi32, #tpu.memory_space<vmem>>
      %dma_wait3A_114 = tpu.memref_squeeze %dma_wait3A_113 : memref<1x125xi32, #tpu.memory_space<vmem>> -> memref<125xi32, #tpu.memory_space<vmem>>
      %dma_wait3A_115 = arith.constant 0 : i32
      %dma_wait3A_116 = arith.constant 0 : i32
      %dma_wait3A_117 = tpu.memref_slice %arg2[%dma_wait3A_115, %dma_wait3A_116] : memref<10000x64xf32, #tpu.memory_space<hbm>> -> memref<10000x64xf32, #tpu.memory_space<hbm>>
      tpu.wait_indirect_dma semaphore(%arg11 : memref<!tpu.dma_semaphore, #tpu.memory_space<semaphore_mem>>) src(%dma_wait3A_117 : memref<10000x64xf32, #tpu.memory_space<hbm>>) dst(%arg7 : memref<125x64xf32, #tpu.memory_space<vmem>>)
      %add3A_118 = arith.constant 0 : i32
      %add3A_119 = arith.addi %mul3A_110, %add3A_118 : i32
      "tpu.region"() ({
        %run_scoped3A_194 = tpu.sem_alloc : memref<!tpu.dma_semaphore, #tpu.memory_space<semaphore_mem>>
        %dma_start3A_195 = arith.constant 0 : i32
        %dma_start3A_196 = tpu.memref_slice %arg6[%add3A_119, %dma_start3A_195] : memref<80x125xi32, #tpu.memory_space<vmem>> -> memref<1x125xi32, #tpu.memory_space<vmem>>
        %dma_start3A_197 = tpu.memref_squeeze %dma_start3A_196 : memref<1x125xi32, #tpu.memory_space<vmem>> -> memref<125xi32, #tpu.memory_space<vmem>>
        %dma_start3A_198 = arith.constant 0 : i32
        %dma_start3A_199 = arith.constant 0 : i32
        %dma_start3A_200 = tpu.memref_slice %arg15[%dma_start3A_198, %dma_start3A_199] : memref<10000x64xf32, #tpu.memory_space<vmem_shared>> -> memref<10000x64xf32, #tpu.memory_space<vmem_shared>>
        tpu.enqueue_indirect_dma source(%arg7 : memref<125x64xf32, #tpu.memory_space<vmem>>) target(%dma_start3A_200 : memref<10000x64xf32, #tpu.memory_space<vmem_shared>>) offsets(%dma_start3A_197 : memref<125xi32, #tpu.memory_space<vmem>>) semaphore(%run_scoped3A_194 : memref<!tpu.dma_semaphore, #tpu.memory_space<semaphore_mem>>) {add = true}
        %dma_wait3A_201 = arith.constant 0 : i32
        %dma_wait3A_202 = tpu.memref_slice %arg6[%add3A_119, %dma_wait3A_201] : memref<80x125xi32, #tpu.memory_space<vmem>> -> memref<1x125xi32, #tpu.memory_space<vmem>>
        %dma_wait3A_203 = tpu.memref_squeeze %dma_wait3A_202 : memref<1x125xi32, #tpu.memory_space<vmem>> -> memref<125xi32, #tpu.memory_space<vmem>>
        %dma_wait3A_204 = arith.constant 0 : i32
        %dma_wait3A_205 = arith.constant 0 : i32
        %dma_wait3A_206 = tpu.memref_slice %arg15[%dma_wait3A_204, %dma_wait3A_205] : memref<10000x64xf32, #tpu.memory_space<vmem_shared>> -> memref<10000x64xf32, #tpu.memory_space<vmem_shared>>
        tpu.wait_indirect_dma semaphore(%run_scoped3A_194 : memref<!tpu.dma_semaphore, #tpu.memory_space<semaphore_mem>>) src(%arg7 : memref<125x64xf32, #tpu.memory_space<vmem>>) dst(%dma_wait3A_206 : memref<10000x64xf32, #tpu.memory_space<vmem_shared>>)
        tpu.yield
      }) : () -> ()
      %add3A_120 = arith.constant 4 : i32
      %add3A_121 = arith.addi %mul3A_110, %add3A_120 : i32
      %add3A_122 = arith.constant 0 : i32
      %add3A_123 = arith.addi %add3A_121, %add3A_122 : i32
      %min3A = arith.constant 79 : i32
      %min3A_124 = arith.minsi %add3A_123, %min3A : i32
      %dma_start3A_125 = arith.constant 0 : i32
      %dma_start3A_126 = tpu.memref_slice %arg5[%min3A_124, %dma_start3A_125] : memref<80x125xi32, #tpu.memory_space<vmem>> -> memref<1x125xi32, #tpu.memory_space<vmem>>
      %dma_start3A_127 = tpu.memref_squeeze %dma_start3A_126 : memref<1x125xi32, #tpu.memory_space<vmem>> -> memref<125xi32, #tpu.memory_space<vmem>>
      %dma_start3A_128 = arith.constant 0 : i32
      %dma_start3A_129 = arith.constant 0 : i32
      %dma_start3A_130 = tpu.memref_slice %arg2[%dma_start3A_128, %dma_start3A_129] : memref<10000x64xf32, #tpu.memory_space<hbm>> -> memref<10000x64xf32, #tpu.memory_space<hbm>>
      tpu.enqueue_indirect_dma source(%dma_start3A_130 : memref<10000x64xf32, #tpu.memory_space<hbm>>) target(%arg7 : memref<125x64xf32, #tpu.memory_space<vmem>>) offsets(%dma_start3A_127 : memref<125xi32, #tpu.memory_space<vmem>>) semaphore(%arg11 : memref<!tpu.dma_semaphore, #tpu.memory_space<semaphore_mem>>)
      %dma_wait3A_131 = arith.constant 0 : i32
      %dma_wait3A_132 = arith.constant 0 : i32
      %dma_wait3A_133 = tpu.memref_slice %arg5[%dma_wait3A_131, %dma_wait3A_132] : memref<80x125xi32, #tpu.memory_space<vmem>> -> memref<1x125xi32, #tpu.memory_space<vmem>>
      %dma_wait3A_134 = tpu.memref_squeeze %dma_wait3A_133 : memref<1x125xi32, #tpu.memory_space<vmem>> -> memref<125xi32, #tpu.memory_space<vmem>>
      %dma_wait3A_135 = arith.constant 0 : i32
      %dma_wait3A_136 = arith.constant 0 : i32
      %dma_wait3A_137 = tpu.memref_slice %arg2[%dma_wait3A_135, %dma_wait3A_136] : memref<10000x64xf32, #tpu.memory_space<hbm>> -> memref<10000x64xf32, #tpu.memory_space<hbm>>
      tpu.wait_indirect_dma semaphore(%arg12 : memref<!tpu.dma_semaphore, #tpu.memory_space<semaphore_mem>>) src(%dma_wait3A_137 : memref<10000x64xf32, #tpu.memory_space<hbm>>) dst(%arg8 : memref<125x64xf32, #tpu.memory_space<vmem>>)
      %add3A_138 = arith.constant 1 : i32
      %add3A_139 = arith.addi %mul3A_110, %add3A_138 : i32
      "tpu.region"() ({
        %run_scoped3A_194 = tpu.sem_alloc : memref<!tpu.dma_semaphore, #tpu.memory_space<semaphore_mem>>
        %dma_start3A_195 = arith.constant 0 : i32
        %dma_start3A_196 = tpu.memref_slice %arg6[%add3A_139, %dma_start3A_195] : memref<80x125xi32, #tpu.memory_space<vmem>> -> memref<1x125xi32, #tpu.memory_space<vmem>>
        %dma_start3A_197 = tpu.memref_squeeze %dma_start3A_196 : memref<1x125xi32, #tpu.memory_space<vmem>> -> memref<125xi32, #tpu.memory_space<vmem>>
        %dma_start3A_198 = arith.constant 0 : i32
        %dma_start3A_199 = arith.constant 0 : i32
        %dma_start3A_200 = tpu.memref_slice %arg15[%dma_start3A_198, %dma_start3A_199] : memref<10000x64xf32, #tpu.memory_space<vmem_shared>> -> memref<10000x64xf32, #tpu.memory_space<vmem_shared>>
        tpu.enqueue_indirect_dma source(%arg8 : memref<125x64xf32, #tpu.memory_space<vmem>>) target(%dma_start3A_200 : memref<10000x64xf32, #tpu.memory_space<vmem_shared>>) offsets(%dma_start3A_197 : memref<125xi32, #tpu.memory_space<vmem>>) semaphore(%run_scoped3A_194 : memref<!tpu.dma_semaphore, #tpu.memory_space<semaphore_mem>>) {add = true}
        %dma_wait3A_201 = arith.constant 0 : i32
        %dma_wait3A_202 = tpu.memref_slice %arg6[%add3A_139, %dma_wait3A_201] : memref<80x125xi32, #tpu.memory_space<vmem>> -> memref<1x125xi32, #tpu.memory_space<vmem>>
        %dma_wait3A_203 = tpu.memref_squeeze %dma_wait3A_202 : memref<1x125xi32, #tpu.memory_space<vmem>> -> memref<125xi32, #tpu.memory_space<vmem>>
        %dma_wait3A_204 = arith.constant 0 : i32
        %dma_wait3A_205 = arith.constant 0 : i32
        %dma_wait3A_206 = tpu.memref_slice %arg15[%dma_wait3A_204, %dma_wait3A_205] : memref<10000x64xf32, #tpu.memory_space<vmem_shared>> -> memref<10000x64xf32, #tpu.memory_space<vmem_shared>>
        tpu.wait_indirect_dma semaphore(%run_scoped3A_194 : memref<!tpu.dma_semaphore, #tpu.memory_space<semaphore_mem>>) src(%arg8 : memref<125x64xf32, #tpu.memory_space<vmem>>) dst(%dma_wait3A_206 : memref<10000x64xf32, #tpu.memory_space<vmem_shared>>)
        tpu.yield
      }) : () -> ()
      %add3A_140 = arith.constant 4 : i32
      %add3A_141 = arith.addi %mul3A_110, %add3A_140 : i32
      %add3A_142 = arith.constant 1 : i32
      %add3A_143 = arith.addi %add3A_141, %add3A_142 : i32
      %min3A_144 = arith.constant 79 : i32
      %min3A_145 = arith.minsi %add3A_143, %min3A_144 : i32
      %dma_start3A_146 = arith.constant 0 : i32
      %dma_start3A_147 = tpu.memref_slice %arg5[%min3A_145, %dma_start3A_146] : memref<80x125xi32, #tpu.memory_space<vmem>> -> memref<1x125xi32, #tpu.memory_space<vmem>>
      %dma_start3A_148 = tpu.memref_squeeze %dma_start3A_147 : memref<1x125xi32, #tpu.memory_space<vmem>> -> memref<125xi32, #tpu.memory_space<vmem>>
      %dma_start3A_149 = arith.constant 0 : i32
      %dma_start3A_150 = arith.constant 0 : i32
      %dma_start3A_151 = tpu.memref_slice %arg2[%dma_start3A_149, %dma_start3A_150] : memref<10000x64xf32, #tpu.memory_space<hbm>> -> memref<10000x64xf32, #tpu.memory_space<hbm>>
      tpu.enqueue_indirect_dma source(%dma_start3A_151 : memref<10000x64xf32, #tpu.memory_space<hbm>>) target(%arg8 : memref<125x64xf32, #tpu.memory_space<vmem>>) offsets(%dma_start3A_148 : memref<125xi32, #tpu.memory_space<vmem>>) semaphore(%arg12 : memref<!tpu.dma_semaphore, #tpu.memory_space<semaphore_mem>>)
      %dma_wait3A_152 = arith.constant 0 : i32
      %dma_wait3A_153 = arith.constant 0 : i32
      %dma_wait3A_154 = tpu.memref_slice %arg5[%dma_wait3A_152, %dma_wait3A_153] : memref<80x125xi32, #tpu.memory_space<vmem>> -> memref<1x125xi32, #tpu.memory_space<vmem>>
      %dma_wait3A_155 = tpu.memref_squeeze %dma_wait3A_154 : memref<1x125xi32, #tpu.memory_space<vmem>> -> memref<125xi32, #tpu.memory_space<vmem>>
      %dma_wait3A_156 = arith.constant 0 : i32
      %dma_wait3A_157 = arith.constant 0 : i32
      %dma_wait3A_158 = tpu.memref_slice %arg2[%dma_wait3A_156, %dma_wait3A_157] : memref<10000x64xf32, #tpu.memory_space<hbm>> -> memref<10000x64xf32, #tpu.memory_space<hbm>>
      tpu.wait_indirect_dma semaphore(%arg13 : memref<!tpu.dma_semaphore, #tpu.memory_space<semaphore_mem>>) src(%dma_wait3A_158 : memref<10000x64xf32, #tpu.memory_space<hbm>>) dst(%arg9 : memref<125x64xf32, #tpu.memory_space<vmem>>)
      %add3A_159 = arith.constant 2 : i32
      %add3A_160 = arith.addi %mul3A_110, %add3A_159 : i32
      "tpu.region"() ({
        %run_scoped3A_194 = tpu.sem_alloc : memref<!tpu.dma_semaphore, #tpu.memory_space<semaphore_mem>>
        %dma_start3A_195 = arith.constant 0 : i32
        %dma_start3A_196 = tpu.memref_slice %arg6[%add3A_160, %dma_start3A_195] : memref<80x125xi32, #tpu.memory_space<vmem>> -> memref<1x125xi32, #tpu.memory_space<vmem>>
        %dma_start3A_197 = tpu.memref_squeeze %dma_start3A_196 : memref<1x125xi32, #tpu.memory_space<vmem>> -> memref<125xi32, #tpu.memory_space<vmem>>
        %dma_start3A_198 = arith.constant 0 : i32
        %dma_start3A_199 = arith.constant 0 : i32
        %dma_start3A_200 = tpu.memref_slice %arg15[%dma_start3A_198, %dma_start3A_199] : memref<10000x64xf32, #tpu.memory_space<vmem_shared>> -> memref<10000x64xf32, #tpu.memory_space<vmem_shared>>
        tpu.enqueue_indirect_dma source(%arg9 : memref<125x64xf32, #tpu.memory_space<vmem>>) target(%dma_start3A_200 : memref<10000x64xf32, #tpu.memory_space<vmem_shared>>) offsets(%dma_start3A_197 : memref<125xi32, #tpu.memory_space<vmem>>) semaphore(%run_scoped3A_194 : memref<!tpu.dma_semaphore, #tpu.memory_space<semaphore_mem>>) {add = true}
        %dma_wait3A_201 = arith.constant 0 : i32
        %dma_wait3A_202 = tpu.memref_slice %arg6[%add3A_160, %dma_wait3A_201] : memref<80x125xi32, #tpu.memory_space<vmem>> -> memref<1x125xi32, #tpu.memory_space<vmem>>
        %dma_wait3A_203 = tpu.memref_squeeze %dma_wait3A_202 : memref<1x125xi32, #tpu.memory_space<vmem>> -> memref<125xi32, #tpu.memory_space<vmem>>
        %dma_wait3A_204 = arith.constant 0 : i32
        %dma_wait3A_205 = arith.constant 0 : i32
        %dma_wait3A_206 = tpu.memref_slice %arg15[%dma_wait3A_204, %dma_wait3A_205] : memref<10000x64xf32, #tpu.memory_space<vmem_shared>> -> memref<10000x64xf32, #tpu.memory_space<vmem_shared>>
        tpu.wait_indirect_dma semaphore(%run_scoped3A_194 : memref<!tpu.dma_semaphore, #tpu.memory_space<semaphore_mem>>) src(%arg9 : memref<125x64xf32, #tpu.memory_space<vmem>>) dst(%dma_wait3A_206 : memref<10000x64xf32, #tpu.memory_space<vmem_shared>>)
        tpu.yield
      }) : () -> ()
      %add3A_161 = arith.constant 4 : i32
      %add3A_162 = arith.addi %mul3A_110, %add3A_161 : i32
      %add3A_163 = arith.constant 2 : i32
      %add3A_164 = arith.addi %add3A_162, %add3A_163 : i32
      %min3A_165 = arith.constant 79 : i32
      %min3A_166 = arith.minsi %add3A_164, %min3A_165 : i32
      %dma_start3A_167 = arith.constant 0 : i32
      %dma_start3A_168 = tpu.memref_slice %arg5[%min3A_166, %dma_start3A_167] : memref<80x125xi32, #tpu.memory_space<vmem>> -> memref<1x125xi32, #tpu.memory_space<vmem>>
      %dma_start3A_169 = tpu.memref_squeeze %dma_start3A_168 : memref<1x125xi32, #tpu.memory_space<vmem>> -> memref<125xi32, #tpu.memory_space<vmem>>
      %dma_start3A_170 = arith.constant 0 : i32
      %dma_start3A_171 = arith.constant 0 : i32
      %dma_start3A_172 = tpu.memref_slice %arg2[%dma_start3A_170, %dma_start3A_171] : memref<10000x64xf32, #tpu.memory_space<hbm>> -> memref<10000x64xf32, #tpu.memory_space<hbm>>
      tpu.enqueue_indirect_dma source(%dma_start3A_172 : memref<10000x64xf32, #tpu.memory_space<hbm>>) target(%arg9 : memref<125x64xf32, #tpu.memory_space<vmem>>) offsets(%dma_start3A_169 : memref<125xi32, #tpu.memory_space<vmem>>) semaphore(%arg13 : memref<!tpu.dma_semaphore, #tpu.memory_space<semaphore_mem>>)
      %dma_wait3A_173 = arith.constant 0 : i32
      %dma_wait3A_174 = arith.constant 0 : i32
      %dma_wait3A_175 = tpu.memref_slice %arg5[%dma_wait3A_173, %dma_wait3A_174] : memref<80x125xi32, #tpu.memory_space<vmem>> -> memref<1x125xi32, #tpu.memory_space<vmem>>
      %dma_wait3A_176 = tpu.memref_squeeze %dma_wait3A_175 : memref<1x125xi32, #tpu.memory_space<vmem>> -> memref<125xi32, #tpu.memory_space<vmem>>
      %dma_wait3A_177 = arith.constant 0 : i32
      %dma_wait3A_178 = arith.constant 0 : i32
      %dma_wait3A_179 = tpu.memref_slice %arg2[%dma_wait3A_177, %dma_wait3A_178] : memref<10000x64xf32, #tpu.memory_space<hbm>> -> memref<10000x64xf32, #tpu.memory_space<hbm>>
      tpu.wait_indirect_dma semaphore(%arg14 : memref<!tpu.dma_semaphore, #tpu.memory_space<semaphore_mem>>) src(%dma_wait3A_179 : memref<10000x64xf32, #tpu.memory_space<hbm>>) dst(%arg10 : memref<125x64xf32, #tpu.memory_space<vmem>>)
      %add3A_180 = arith.constant 3 : i32
      %add3A_181 = arith.addi %mul3A_110, %add3A_180 : i32
      "tpu.region"() ({
        %run_scoped3A_194 = tpu.sem_alloc : memref<!tpu.dma_semaphore, #tpu.memory_space<semaphore_mem>>
        %dma_start3A_195 = arith.constant 0 : i32
        %dma_start3A_196 = tpu.memref_slice %arg6[%add3A_181, %dma_start3A_195] : memref<80x125xi32, #tpu.memory_space<vmem>> -> memref<1x125xi32, #tpu.memory_space<vmem>>
        %dma_start3A_197 = tpu.memref_squeeze %dma_start3A_196 : memref<1x125xi32, #tpu.memory_space<vmem>> -> memref<125xi32, #tpu.memory_space<vmem>>
        %dma_start3A_198 = arith.constant 0 : i32
        %dma_start3A_199 = arith.constant 0 : i32
        %dma_start3A_200 = tpu.memref_slice %arg15[%dma_start3A_198, %dma_start3A_199] : memref<10000x64xf32, #tpu.memory_space<vmem_shared>> -> memref<10000x64xf32, #tpu.memory_space<vmem_shared>>
        tpu.enqueue_indirect_dma source(%arg10 : memref<125x64xf32, #tpu.memory_space<vmem>>) target(%dma_start3A_200 : memref<10000x64xf32, #tpu.memory_space<vmem_shared>>) offsets(%dma_start3A_197 : memref<125xi32, #tpu.memory_space<vmem>>) semaphore(%run_scoped3A_194 : memref<!tpu.dma_semaphore, #tpu.memory_space<semaphore_mem>>) {add = true}
        %dma_wait3A_201 = arith.constant 0 : i32
        %dma_wait3A_202 = tpu.memref_slice %arg6[%add3A_181, %dma_wait3A_201] : memref<80x125xi32, #tpu.memory_space<vmem>> -> memref<1x125xi32, #tpu.memory_space<vmem>>
        %dma_wait3A_203 = tpu.memref_squeeze %dma_wait3A_202 : memref<1x125xi32, #tpu.memory_space<vmem>> -> memref<125xi32, #tpu.memory_space<vmem>>
        %dma_wait3A_204 = arith.constant 0 : i32
        %dma_wait3A_205 = arith.constant 0 : i32
        %dma_wait3A_206 = tpu.memref_slice %arg15[%dma_wait3A_204, %dma_wait3A_205] : memref<10000x64xf32, #tpu.memory_space<vmem_shared>> -> memref<10000x64xf32, #tpu.memory_space<vmem_shared>>
        tpu.wait_indirect_dma semaphore(%run_scoped3A_194 : memref<!tpu.dma_semaphore, #tpu.memory_space<semaphore_mem>>) src(%arg10 : memref<125x64xf32, #tpu.memory_space<vmem>>) dst(%dma_wait3A_206 : memref<10000x64xf32, #tpu.memory_space<vmem_shared>>)
        tpu.yield
      }) : () -> ()
      %add3A_182 = arith.constant 4 : i32
      %add3A_183 = arith.addi %mul3A_110, %add3A_182 : i32
      %add3A_184 = arith.constant 3 : i32
      %add3A_185 = arith.addi %add3A_183, %add3A_184 : i32
      %min3A_186 = arith.constant 79 : i32
      %min3A_187 = arith.minsi %add3A_185, %min3A_186 : i32
      %dma_start3A_188 = arith.constant 0 : i32
      %dma_start3A_189 = tpu.memref_slice %arg5[%min3A_187, %dma_start3A_188] : memref<80x125xi32, #tpu.memory_space<vmem>> -> memref<1x125xi32, #tpu.memory_space<vmem>>
      %dma_start3A_190 = tpu.memref_squeeze %dma_start3A_189 : memref<1x125xi32, #tpu.memory_space<vmem>> -> memref<125xi32, #tpu.memory_space<vmem>>
      %dma_start3A_191 = arith.constant 0 : i32
      %dma_start3A_192 = arith.constant 0 : i32
      %dma_start3A_193 = tpu.memref_slice %arg2[%dma_start3A_191, %dma_start3A_192] : memref<10000x64xf32, #tpu.memory_space<hbm>> -> memref<10000x64xf32, #tpu.memory_space<hbm>>
      tpu.enqueue_indirect_dma source(%dma_start3A_193 : memref<10000x64xf32, #tpu.memory_space<hbm>>) target(%arg10 : memref<125x64xf32, #tpu.memory_space<vmem>>) offsets(%dma_start3A_190 : memref<125xi32, #tpu.memory_space<vmem>>) semaphore(%arg14 : memref<!tpu.dma_semaphore, #tpu.memory_space<semaphore_mem>>)
    }
    %scan3A_72 = arith.constant 20 : i32
    %dma_wait3A = arith.constant 0 : i32
    %dma_wait3A_73 = arith.constant 0 : i32
    %dma_wait3A_74 = tpu.memref_slice %arg5[%dma_wait3A, %dma_wait3A_73] : memref<80x125xi32, #tpu.memory_space<vmem>> -> memref<1x125xi32, #tpu.memory_space<vmem>>
    %dma_wait3A_75 = tpu.memref_squeeze %dma_wait3A_74 : memref<1x125xi32, #tpu.memory_space<vmem>> -> memref<125xi32, #tpu.memory_space<vmem>>
    %dma_wait3A_76 = arith.constant 0 : i32
    %dma_wait3A_77 = arith.constant 0 : i32
    %dma_wait3A_78 = tpu.memref_slice %arg2[%dma_wait3A_76, %dma_wait3A_77] : memref<10000x64xf32, #tpu.memory_space<hbm>> -> memref<10000x64xf32, #tpu.memory_space<hbm>>
    tpu.wait_indirect_dma semaphore(%arg11 : memref<!tpu.dma_semaphore, #tpu.memory_space<semaphore_mem>>) src(%dma_wait3A_78 : memref<10000x64xf32, #tpu.memory_space<hbm>>) dst(%arg7 : memref<125x64xf32, #tpu.memory_space<vmem>>)
    %dma_wait3A_79 = arith.constant 0 : i32
    %dma_wait3A_80 = arith.constant 0 : i32
    %dma_wait3A_81 = tpu.memref_slice %arg5[%dma_wait3A_79, %dma_wait3A_80] : memref<80x125xi32, #tpu.memory_space<vmem>> -> memref<1x125xi32, #tpu.memory_space<vmem>>
    %dma_wait3A_82 = tpu.memref_squeeze %dma_wait3A_81 : memref<1x125xi32, #tpu.memory_space<vmem>> -> memref<125xi32, #tpu.memory_space<vmem>>
    %dma_wait3A_83 = arith.constant 0 : i32
    %dma_wait3A_84 = arith.constant 0 : i32
    %dma_wait3A_85 = tpu.memref_slice %arg2[%dma_wait3A_83, %dma_wait3A_84] : memref<10000x64xf32, #tpu.memory_space<hbm>> -> memref<10000x64xf32, #tpu.memory_space<hbm>>
    tpu.wait_indirect_dma semaphore(%arg12 : memref<!tpu.dma_semaphore, #tpu.memory_space<semaphore_mem>>) src(%dma_wait3A_85 : memref<10000x64xf32, #tpu.memory_space<hbm>>) dst(%arg8 : memref<125x64xf32, #tpu.memory_space<vmem>>)
    %dma_wait3A_86 = arith.constant 0 : i32
    %dma_wait3A_87 = arith.constant 0 : i32
    %dma_wait3A_88 = tpu.memref_slice %arg5[%dma_wait3A_86, %dma_wait3A_87] : memref<80x125xi32, #tpu.memory_space<vmem>> -> memref<1x125xi32, #tpu.memory_space<vmem>>
    %dma_wait3A_89 = tpu.memref_squeeze %dma_wait3A_88 : memref<1x125xi32, #tpu.memory_space<vmem>> -> memref<125xi32, #tpu.memory_space<vmem>>
    %dma_wait3A_90 = arith.constant 0 : i32
    %dma_wait3A_91 = arith.constant 0 : i32
    %dma_wait3A_92 = tpu.memref_slice %arg2[%dma_wait3A_90, %dma_wait3A_91] : memref<10000x64xf32, #tpu.memory_space<hbm>> -> memref<10000x64xf32, #tpu.memory_space<hbm>>
    tpu.wait_indirect_dma semaphore(%arg13 : memref<!tpu.dma_semaphore, #tpu.memory_space<semaphore_mem>>) src(%dma_wait3A_92 : memref<10000x64xf32, #tpu.memory_space<hbm>>) dst(%arg9 : memref<125x64xf32, #tpu.memory_space<vmem>>)
    %dma_wait3A_93 = arith.constant 0 : i32
    %dma_wait3A_94 = arith.constant 0 : i32
    %dma_wait3A_95 = tpu.memref_slice %arg5[%dma_wait3A_93, %dma_wait3A_94] : memref<80x125xi32, #tpu.memory_space<vmem>> -> memref<1x125xi32, #tpu.memory_space<vmem>>
    %dma_wait3A_96 = tpu.memref_squeeze %dma_wait3A_95 : memref<1x125xi32, #tpu.memory_space<vmem>> -> memref<125xi32, #tpu.memory_space<vmem>>
    %dma_wait3A_97 = arith.constant 0 : i32
    %dma_wait3A_98 = arith.constant 0 : i32
    %dma_wait3A_99 = tpu.memref_slice %arg2[%dma_wait3A_97, %dma_wait3A_98] : memref<10000x64xf32, #tpu.memory_space<hbm>> -> memref<10000x64xf32, #tpu.memory_space<hbm>>
    tpu.wait_indirect_dma semaphore(%arg14 : memref<!tpu.dma_semaphore, #tpu.memory_space<semaphore_mem>>) src(%dma_wait3A_99 : memref<10000x64xf32, #tpu.memory_space<hbm>>) dst(%arg10 : memref<125x64xf32, #tpu.memory_space<vmem>>)
    %barrier3A_100 = arith.constant 0 : index
    tpu.barrier barrier_id(%barrier3A_100)
    %mul3A_101 = arith.constant 625 : i32
    %mul3A_102 = arith.muli %arg1, %mul3A_101 : i32
    %mul3A_103 = arith.constant 10000 : i32
    %mul3A_104 = arith.muli %arg0, %mul3A_103 : i32
    %mul3A_105 = arith.constant 625 : i32
    %mul3A_106 = arith.muli %arg1, %mul3A_105 : i32
    %add3A_107 = arith.addi %mul3A_104, %mul3A_106 : i32
    "tpu.region"() ({
      %run_scoped3A_108 = tpu.sem_alloc : memref<!tpu.dma_semaphore, #tpu.memory_space<semaphore_mem>>
      %dma_start3A_109 = arith.constant 0 : i32
      %dma_start3A_110 = tpu.memref_slice %arg4[%add3A_107, %dma_start3A_109] : memref<20000x64xf32, #tpu.memory_space<hbm>> -> memref<625x64xf32, #tpu.memory_space<hbm>>
      %dma_start3A_111 = arith.constant 0 : i32
      %dma_start3A_112 = tpu.memref_slice %arg15[%mul3A_102, %dma_start3A_111] : memref<10000x64xf32, #tpu.memory_space<vmem_shared>> -> memref<625x64xf32, #tpu.memory_space<vmem_shared>>
      tpu.enqueue_dma source(%dma_start3A_112 : memref<625x64xf32, #tpu.memory_space<vmem_shared>>) target(%dma_start3A_110 : memref<625x64xf32, #tpu.memory_space<hbm>>) target_semaphore(%run_scoped3A_108 : memref<!tpu.dma_semaphore, #tpu.memory_space<semaphore_mem>>)
      %dma_wait3A_113 = arith.constant 0 : i32
      %dma_wait3A_114 = tpu.memref_slice %arg4[%add3A_107, %dma_wait3A_113] : memref<20000x64xf32, #tpu.memory_space<hbm>> -> memref<625x64xf32, #tpu.memory_space<hbm>>
      %dma_wait3A_115 = arith.constant 0 : i32
      %dma_wait3A_116 = tpu.memref_slice %arg15[%mul3A_102, %dma_wait3A_115] : memref<10000x64xf32, #tpu.memory_space<vmem_shared>> -> memref<625x64xf32, #tpu.memory_space<vmem_shared>>
      tpu.wait_dma2 semaphore(%run_scoped3A_108 : memref<!tpu.dma_semaphore, #tpu.memory_space<semaphore_mem>>) src(%dma_wait3A_116 : memref<625x64xf32, #tpu.memory_space<vmem_shared>>) dst(%dma_wait3A_114 : memref<625x64xf32, #tpu.memory_space<hbm>>)
      tpu.yield
    }) : () -> ()
    return
  }
}

module attributes {stable_mosaic.version = 14 : i64} {
  func.func @_mid_body(%arg0: i32, %arg1: memref<2000x128xf32, #tpu.memory_space<vmem>>, %arg2: memref<2000x128xf32, #tpu.memory_space<vmem>>, %arg3: memref<128x128xf32, #tpu.memory_space<vmem>>, %arg4: memref<128x64xf32, #tpu.memory_space<vmem>>, %arg5: memref<2000x64xf32, #tpu.memory_space<vmem>>) attributes {dimension_semantics = [#tpu.dimension_semantics<arbitrary>], iteration_bounds = array<i64: 5>, scalar_prefetch = 0 : i64, scratch_operands = 0 : i64, tpu.core_type = #tpu.core_type<tc>, window_params = [{transform_indices = @transform_0, window_bounds = array<i64: 2000, 128>}, {transform_indices = @transform_1, window_bounds = array<i64: 2000, 128>}, {pipeline_mode = #tpu.pipeline_mode<synchronous>, transform_indices = @transform_2, window_bounds = array<i64: 128, 128>}, {pipeline_mode = #tpu.pipeline_mode<synchronous>, transform_indices = @transform_3, window_bounds = array<i64: 128, 64>}, {transform_indices = @transform_4, window_bounds = array<i64: 2000, 64>}]} {
    %get3A = arith.constant 0 : index
    %get3A_0 = arith.constant 0 : index
    %get3A_1 = vector.load %arg1[%get3A, %get3A_0] : memref<2000x128xf32, #tpu.memory_space<vmem>>, vector<2000x128xf32>
    %get3A_2 = arith.constant 0 : index
    %get3A_3 = arith.constant 0 : index
    %get3A_4 = vector.load %arg2[%get3A_2, %get3A_3] : memref<2000x128xf32, #tpu.memory_space<vmem>>, vector<2000x128xf32>
    %add3A = arith.addf %get3A_1, %get3A_4 : vector<2000x128xf32>
    %get3A_5 = arith.constant 0 : index
    %get3A_6 = arith.constant 0 : index
    %get3A_7 = vector.load %arg3[%get3A_5, %get3A_6] : memref<128x128xf32, #tpu.memory_space<vmem>>, vector<128x128xf32>
    %dot_general3A = arith.constant dense<0.000000e+00> : vector<2000x128xf32>
    %dot_general3A_8 = tpu.matmul %add3A, %get3A_7, %dot_general3A {dimension_numbers = #tpu.dot_dimension_numbers<[1], [0], [0], [1], [0, 0, 1, 1], [], []>, transpose_lhs_hint = false} : vector<2000x128xf32>, vector<128x128xf32>, vector<2000x128xf32> -> vector<2000x128xf32>
    %max3A = arith.constant 0.000000e+00 : f32
    %max3A_9 = vector.broadcast %max3A : f32 to vector<2000x128xf32>
    %max3A_10 = arith.maximumf %dot_general3A_8, %max3A_9 : vector<2000x128xf32>
    %get3A_11 = arith.constant 0 : index
    %get3A_12 = arith.constant 0 : index
    %get3A_13 = vector.load %arg4[%get3A_11, %get3A_12] : memref<128x64xf32, #tpu.memory_space<vmem>>, vector<128x64xf32>
    %dot_general3A_14 = arith.constant dense<0.000000e+00> : vector<2000x64xf32>
    %dot_general3A_15 = tpu.matmul %max3A_10, %get3A_13, %dot_general3A_14 {dimension_numbers = #tpu.dot_dimension_numbers<[1], [0], [0], [1], [0, 0, 1, 1], [], []>, transpose_lhs_hint = false} : vector<2000x128xf32>, vector<128x64xf32>, vector<2000x64xf32> -> vector<2000x64xf32>
    %swap3A = arith.constant 0 : index
    %swap3A_16 = arith.constant 0 : index
    %swap3A_17 = vector.load %arg5[%swap3A, %swap3A_16] : memref<2000x64xf32, #tpu.memory_space<vmem>>, vector<2000x64xf32>
    tpu.vector_store %arg5[%swap3A, %swap3A_16], %dot_general3A_15 {strides = array<i32>} : memref<2000x64xf32, #tpu.memory_space<vmem>>, vector<2000x64xf32>,
    return
  }
  func.func @transform_0(%arg0: i32) -> (i32, i32) {
    %c0_i32 = arith.constant 0 : i32
    %c0_i32_0 = arith.constant 0 : i32
    return %arg0, %c0_i32 : i32, i32
  }
  func.func @transform_1(%arg0: i32) -> (i32, i32) {
    %add3A = arith.constant 5 : i32
    %add3A_0 = arith.addi %arg0, %add3A : i32
    %c0_i32 = arith.constant 0 : i32
    %c0_i32_1 = arith.constant 0 : i32
    return %add3A_0, %c0_i32 : i32, i32
  }
  func.func @transform_2(%arg0: i32) -> (i32, i32) {
    %c0_i32 = arith.constant 0 : i32
    %c0_i32_0 = arith.constant 0 : i32
    %c0_i32_1 = arith.constant 0 : i32
    return %c0_i32, %c0_i32_0 : i32, i32
  }
  func.func @transform_3(%arg0: i32) -> (i32, i32) {
    %c0_i32 = arith.constant 0 : i32
    %c0_i32_0 = arith.constant 0 : i32
    %c0_i32_1 = arith.constant 0 : i32
    return %c0_i32, %c0_i32_0 : i32, i32
  }
  func.func @transform_4(%arg0: i32) -> (i32, i32) {
    %c0_i32 = arith.constant 0 : i32
    %c0_i32_0 = arith.constant 0 : i32
    return %arg0, %c0_i32 : i32, i32
  }
}

module attributes {stable_mosaic.version = 14 : i64} {
  func.func @_fin_body(%arg0: i32, %arg1: memref<2000x64xf32, #tpu.memory_space<vmem>>, %arg2: memref<2000x64xf32, #tpu.memory_space<vmem>>, %arg3: memref<1x64xf32, #tpu.memory_space<vmem>>, %arg4: memref<2000x40xf32, #tpu.memory_space<vmem>>) attributes {dimension_semantics = [#tpu.dimension_semantics<arbitrary>], iteration_bounds = array<i64: 5>, scalar_prefetch = 0 : i64, scratch_operands = 0 : i64, tpu.core_type = #tpu.core_type<tc>, window_params = [{transform_indices = @transform_0, window_bounds = array<i64: 2000, 64>}, {transform_indices = @transform_1, window_bounds = array<i64: 2000, 64>}, {pipeline_mode = #tpu.pipeline_mode<synchronous>, transform_indices = @transform_2, window_bounds = array<i64: 1, 64>}, {transform_indices = @transform_3, window_bounds = array<i64: 2000, 40>}]} {
    %get3A = arith.constant 0 : index
    %get3A_0 = arith.constant 0 : index
    %get3A_1 = vector.load %arg1[%get3A, %get3A_0] : memref<2000x64xf32, #tpu.memory_space<vmem>>, vector<2000x64xf32>
    %get3A_2 = arith.constant 0 : index
    %get3A_3 = arith.constant 0 : index
    %get3A_4 = vector.load %arg2[%get3A_2, %get3A_3] : memref<2000x64xf32, #tpu.memory_space<vmem>>, vector<2000x64xf32>
    %add3A = arith.addf %get3A_1, %get3A_4 : vector<2000x64xf32>
    %get3A_5 = arith.constant 0 : index
    %get3A_6 = arith.constant 0 : index
    %get3A_7 = vector.load %arg3[%get3A_5, %get3A_6] : memref<1x64xf32, #tpu.memory_space<vmem>>, vector<1x64xf32>
    %add3A_8 = vector.broadcast %get3A_7 : vector<1x64xf32> to vector<2000x64xf32>
    %add3A_9 = arith.addf %add3A, %add3A_8 : vector<2000x64xf32>
    %iota3A = tpu.iota {dimensions = array<i32: 1>} : vector<2000x64xi32>
    %lt3A = arith.constant 40 : i32
    %lt3A_10 = vector.broadcast %lt3A : i32 to vector<2000x64xi32>
    %lt3A_11 = arith.cmpi slt, %iota3A, %lt3A_10 : vector<2000x64xi32>
    %jit3A = arith.constant 0xFF800000 : f32
    %broadcast_in_dim3A = vector.broadcast %jit3A : f32 to vector<2000x64xf32>
    %select_n3A = arith.select %lt3A_11, %add3A_9, %broadcast_in_dim3A : vector<2000x64xi1>, vector<2000x64xf32>
    %reduce_max3A = arith.constant dense<0xFF800000> : vector<2000xf32>
    %reduce_max3A_12 = vector.multi_reduction <maximumf>, %select_n3A, %reduce_max3A [1] : vector<2000x64xf32> to vector<2000xf32>
    %broadcast_in_dim3A_13 = vector.shape_cast %reduce_max3A_12 : vector<2000xf32> to vector<2000x1xf32>
    %sub3A = vector.broadcast %broadcast_in_dim3A_13 : vector<2000x1xf32> to vector<2000x64xf32>
    %sub3A_14 = arith.subf %select_n3A, %sub3A : vector<2000x64xf32>
    %exp3A = math.exp %sub3A_14 : vector<2000x64xf32>
    %reduce_sum3A = arith.constant dense<0.000000e+00> : vector<2000xf32>
    %reduce_sum3A_15 = vector.multi_reduction <add>, %exp3A, %reduce_sum3A [1] : vector<2000x64xf32> to vector<2000xf32>
    %broadcast_in_dim3A_16 = vector.shape_cast %reduce_sum3A_15 : vector<2000xf32> to vector<2000x1xf32>
    %log3A = math.log %broadcast_in_dim3A_16 : vector<2000x1xf32>
    %add3A_17 = arith.addf %log3A, %broadcast_in_dim3A_13 : vector<2000x1xf32>
    %sub3A_18 = vector.broadcast %add3A_17 : vector<2000x1xf32> to vector<2000x64xf32>
    %sub3A_19 = arith.subf %add3A_9, %sub3A_18 : vector<2000x64xf32>
    %slice3A = vector.extract_strided_slice %sub3A_19 {offsets = [0, 0], sizes = [2000, 40], strides = [1, 1]} : vector<2000x64xf32> to vector<2000x40xf32>
    %swap3A = arith.constant 0 : index
    %swap3A_20 = arith.constant 0 : index
    %swap3A_21 = vector.load %arg4[%swap3A, %swap3A_20] : memref<2000x40xf32, #tpu.memory_space<vmem>>, vector<2000x40xf32>
    tpu.vector_store %arg4[%swap3A, %swap3A_20], %slice3A {strides = array<i32>} : memref<2000x40xf32, #tpu.memory_space<vmem>>, vector<2000x40xf32>,
    return
  }
  func.func @transform_0(%arg0: i32) -> (i32, i32) {
    %c0_i32 = arith.constant 0 : i32
    %c0_i32_0 = arith.constant 0 : i32
    return %arg0, %c0_i32 : i32, i32
  }
  func.func @transform_1(%arg0: i32) -> (i32, i32) {
    %add3A = arith.constant 5 : i32
    %add3A_0 = arith.addi %arg0, %add3A : i32
    %c0_i32 = arith.constant 0 : i32
    %c0_i32_1 = arith.constant 0 : i32
    return %add3A_0, %c0_i32 : i32, i32
  }
  func.func @transform_2(%arg0: i32) -> (i32, i32) {
    %c0_i32 = arith.constant 0 : i32
    %c0_i32_0 = arith.constant 0 : i32
    %c0_i32_1 = arith.constant 0 : i32
    return %c0_i32, %c0_i32_0 : i32, i32
  }
  func.func @transform_3(%arg0: i32) -> (i32, i32) {
    %c0_i32 = arith.constant 0 : i32
    %c0_i32_0 = arith.constant 0 : i32
    return %arg0, %c0_i32 : i32, i32
  }
}

</mosaic_0001>

<sc_bundles>
// kernel: kernel.6.cloned.1.call-start
scs
__scs_entry_jumppad:
0x0: {  	(pc) =	sbr.rel $0x88, $3  }
0x1: {  	(tag) =	ssettag $0x0;
	lr =	simm.s32 $0x1  }
0x2: {  	[smem:$0x3F9C] =	sst lr;
	_ =	strace $0xD0000000  }
0x3: {  	_ = 	snop  }
0x4: {  	_ = 	snop  }
0x5: {  	_ = 	snop  }
0x6: {  	_ = 	snop  }
0x7: {  	_ = 	snop  }
__scs_overlays_trampoline_lowered:
0x8: {  	[smem:$0x3FAB] =	sst s0  }
0x9: {  	[smem:$0x3FAC] =	sst s1  }
0xa: {  	[smem:$0x3FAD] =	sst s2  }
0xb: {  	[smem:$0x3FAE] =	sst s3  }
0xc: {  	[smem:$0x3FAF] =	sst s4  }
0xd: {  	[smem:$0x3FB0] =	sst s5  }
0xe: {  	[smem:$0x3FB1] =	sst s6  }
0xf: {  	[smem:$0x3FB2] =	sst s7  }
0x10: {  	[smem:$0x3FB3] =	sst s8  }
0x11: {  	[smem:$0x3FB4] =	sst s9;
	s0 =	simm.s32 @!p0 $0x0  }
0x12: {  	s1 =	sld [smem:$0x3F9A];
	s0 =	simm.s32 @p0 $0x1  }
0x13: {  	[smem:$0x3FB5] =	sst s0;
	s0 =	simm.s32 @!p1 $0x0  }
0x14: {  	s2 =	sld [smem:$0x3F99];
	s0 =	simm.s32 @p1 $0x1  }
0x15: {  	[smem:$0x3FB6] =	sst s0;
	s0 =	simm.s32 @!p2 $0x0  }
0x16: {  	s3 =	sld [smem:$0x3FDB];
	s0 =	simm.s32 @p2 $0x1  }
0x17: {  	s4 =	simm.s32 $0x1BF5;
	[smem:$0x3FB8] =	sst s0  }
0x18: {  	s0 =	sld [smem:$0x3F9B];
	_ =	swait.ge [sflag:s4], $0x0  }
0x19: {  	s7 =	sld [smem:$0x3F9C]  }
0x1a: {  	s8 =	sadd.s32 $0xFFFFE003, lr  }
0x1b: {  	s9 =	sadd.s32 $0xFFFFFEF7, lr;
	s5 =	simm.s32 $0xFFFFFFFF;
	p2 =	slt.u32 s8, $0xFFFFF086  }
0x1c: {  	p1 =	slt.u32 s9, $0xF7A;
	s5 =	simm.s32 @!p2 $0x0  }
0x1d: {  	s5 =	simm.s32 @p1 $0x1;
	p0 =	seq.s32 s7, s2  }
0x1e: {  	s7 =	smul.u32 @!p0 $0xF7A, s2;
	p2 =	seq.s32 @!p0 s5, $0x0  }
0x1f: {  	s9 =	smul.u32 $0xF7A, s1;
	s8 =	simm.s32 @!p0 $0x1BF5;
	p2 =	por !p2, p0  }
0x20: {  	[sflag:s8] =	ssyncset.s32 @!p0 $0xFFFFF086;
	s6 =	sadd.s32 @!p0 s3, s7;
	s7 =	simm.s32 @!p0 $0x108  }
0x21: {  	s3 =	sadd.s32 s3, s9;
	s6 =	sadd.s32 @!p0 $0x88, s6;
	s7 =	simm.s32 @p2 $0x1082  }
0x22: {  	[simem:s7], [sflag:s8] =	dma.local @!p0 [hbm:s6], $0xF7A  }
0x23: {  	s9 =	sor.u32 $0xD0000000, s2;
	s6 =	simm.s32 $0x108;
	_ =	swait.ge @!p0 [sflag:s8], $0x0  }
0x24: {  	s3 =	sadd.s32 $0x88, s3;
	s6 =	simm.s32 @!p1 $0x1082;
	[sflag:s4] =	ssyncset.s32 $0xFFFFF086  }
0x25: {  	[simem:s6], [sflag:s4] =	dma.local [hbm:s3], $0xF7A  }
0x26: {  	[smem:$0x3F9C] =	sst s1;
	(tag) =	ssettag s2;
	_ =	strace s9  }
0x27: {  	s1 =	sld [smem:$0x3FAC]  }
0x28: {  	s2 =	sld [smem:$0x3FAD]  }
0x29: {  	s4 =	sld [smem:$0x3FAF]  }
0x2a: {  	p0 =	seq.s32 s5, $0x0;
	s5 =	sld [smem:$0x3FB0]  }
0x2b: {  	s6 =	sld [smem:$0x3FB1]  }
0x2c: {  	s7 =	sld [smem:$0x3FB2]  }
0x2d: {  	s3 =	simm.s32 $0x108;
	s8 =	sld [smem:$0x3FB3]  }
0x2e: {  	s3 =	simm.s32 @!p0 $0x1082;
	s9 =	sld [smem:$0x3FB4]  }
0x2f: {  	lr =	sadd.s32 s0, s3;
	s0 =	sld [smem:$0x3FAB]  }
0x30: {  	s3 =	sld [smem:$0x3FAE]  }
0x31: {  	[smem:$0x3FB7] =	sst s10  }
0x32: {  	s10 =	sld [smem:$0x3FB5];
	_ =	sdelay $0x3  }
0x33: {  	p0 =	seq.s32 s10, $0x1;
	s10 =	sld [smem:$0x3FB7];
	_ =	sdelay $0x3  }
0x34: {  	[smem:$0x3FB7] =	sst s10  }
0x35: {  	s10 =	sld [smem:$0x3FB6];
	_ =	sdelay $0x3  }
0x36: {  	p1 =	seq.s32 s10, $0x1;
	s10 =	sld [smem:$0x3FB7];
	_ =	sdelay $0x3  }
0x37: {  	[smem:$0x3FB7] =	sst s10  }
0x38: {  	s10 =	sld [smem:$0x3FB8]  }
0x39: {  	_ = 	snop;
	(pc) =	sbr.ind lr, $3  }
0x3a: {  	_ = 	snop  }
0x3b: {  	_ = 	snop  }
0x3c: {  	p2 =	seq.s32 s10, $0x1;
	s10 =	sld [smem:$0x3FB7]  }
0x3d: {  	_ =	shalt  }
0x3e: {  	_ =	shalt  }
0x3f: {  	_ =	shalt  }
0x40: {  	_ =	shalt  }
0x41: {  	_ =	shalt  }
0x42: {  	_ =	shalt  }
0x43: {  	_ =	shalt  }
0x44: {  	_ =	shalt  }
0x45: {  	_ =	shalt  }
0x46: {  	_ =	shalt  }
0x47: {  	_ =	shalt  }
0x48: {  	_ =	shalt  }
0x49: {  	_ =	shalt  }
0x4a: {  	_ =	shalt  }
0x4b: {  	_ =	shalt  }
0x4c: {  	_ =	shalt  }
0x4d: {  	_ =	shalt  }
0x4e: {  	_ =	shalt  }
0x4f: {  	_ =	shalt  }
0x50: {  	_ =	shalt  }
0x51: {  	_ =	shalt  }
0x52: {  	_ =	shalt  }
0x53: {  	_ =	shalt  }
0x54: {  	_ =	shalt  }
0x55: {  	_ =	shalt  }
0x56: {  	_ =	shalt  }
0x57: {  	_ =	shalt  }
0x58: {  	_ =	shalt  }
0x59: {  	_ =	shalt  }
0x5a: {  	_ =	shalt  }
0x5b: {  	_ =	shalt  }
0x5c: {  	_ =	shalt  }
0x5d: {  	_ =	shalt  }
0x5e: {  	_ =	shalt  }
0x5f: {  	_ =	shalt  }
0x60: {  	_ =	shalt  }
0x61: {  	_ =	shalt  }
0x62: {  	_ =	shalt  }
0x63: {  	_ =	shalt  }
0x64: {  	_ =	shalt  }
0x65: {  	_ =	shalt  }
0x66: {  	_ =	shalt  }
0x67: {  	_ =	shalt  }
0x68: {  	_ =	shalt  }
0x69: {  	_ =	shalt  }
0x6a: {  	_ =	shalt  }
0x6b: {  	_ =	shalt  }
0x6c: {  	_ =	shalt  }
0x6d: {  	_ =	shalt  }
0x6e: {  	_ =	shalt  }
0x6f: {  	_ =	shalt  }
0x70: {  	_ =	shalt  }
0x71: {  	_ =	shalt  }
0x72: {  	_ =	shalt  }
0x73: {  	_ =	shalt  }
0x74: {  	_ =	shalt  }
0x75: {  	_ =	shalt  }
0x76: {  	_ =	shalt  }
0x77: {  	_ =	shalt  }
0x78: {  	_ =	shalt  }
0x79: {  	_ =	shalt  }
0x7a: {  	_ =	shalt  }
0x7b: {  	_ =	shalt  }
0x7c: {  	_ =	shalt  }
0x7d: {  	_ =	shalt  }
0x7e: {  	_ =	shalt  }
0x7f: {  	_ =	shalt  }
0x80: {  	_ =	shalt  }
0x81: {  	_ =	shalt  }
0x82: {  	_ =	shalt  }
0x83: {  	_ =	shalt  }
0x84: {  	_ =	shalt  }
0x85: {  	_ =	shalt  }
0x86: {  	_ =	shalt  }
0x87: {  	_ =	shalt  }
.Lfunc_end0:
.L_simem_size_0:
called_computation_lowered:
.L_overlay_start_0:
0x88: {  	s2 =	sld [smem:$0x3FD9]  }
0x89: {  	s3 =	sld [smem:$0x3FFE];
	_ =	sdelay $0x1  }
0x8a: {  	s1 =	srdreg.scid  }
0x8b: {  	s0 =	sand.u32 $0x1, s1  }
0x8c: {  	s17 =	sshll.u32 s0, $0xA;
	s2 =	sadd.s32 s3, s2  }
0x8d: {  	s2 =	sadd.s32 s2, s17  }
0x8e: {  	[smem:$0x3FC3] =	sst s2  }
0x8f: {  	_ = 	snop  }
0x90: {  	s2 =	sld [smem:$0x3FC9];
	(tm) =	ssettm $0x1  }
0x91: {  	s18 =	sld [smem:$0x3FFB];
	_ =	sdelay $0x3  }
0x92: {  	_ =	strace s18  }
0x93: {  	s3 =	sld [smem:$0x3FFC];
	_ =	sdelay $0x3  }
0x94: {  	_ =	strace s3  }
0x95: {  	s3 =	sld [smem:$0x3FFD];
	_ =	sdelay $0x3  }
0x96: {  	_ =	strace s3  }
0x97: {  	_ =	strace $0x8FFFFFFF  }
0x98: {  	s19 =	sld [smem:$0x3FDB];
	_ =	sdelay $0x1  }
0x99: {  	s4 =	simm.s32 $_scs_section_size  }
0x9a: {  	s5 =	simm.s32 $_size__tile_overlayer_lowered;
	s6 =	simm.s32 $_tile_overlayer_lowered  }
0x9b: {  	s22 =	simm.s32 $0x1BFF;
	s21 =	sshll.u32 s6, $0x1;
	s3 =	sadd.s32 s4, s19  }
0x9c: {  	s7 =	simm.s32 $0x0;
	s20 =	sshll.u32 s5, $0x1;
	s5 =	sadd.s32 s21, s3  }
0x9d: {  	[timem:s7], [sflag:s22] =	dma.local [hbm:s5], s20  }
0x9e: {  	_ =	swait.ge [sflag:s22], s20  }
0x9f: {  	s4 =	ssub.s32 $0x0, s20;
	[sflag:s22] =	ssyncset.done $0x0  }
0xa0: {  	[sflag:s22] =	ssyncadd.s32 s4;
	_ =	sdelay $0x1  }
0xa1: {  	s23 =	simm.s32 $0x1B8B  }
0xa2: {  	_ =	swait.ge [sflag:s23], $0x1  }
0xa3: {  	[sflag:s23] =	ssyncset.done $0x0  }
0xa4: {  	s25 =	simm.s32 $0x1B8E;
	s24 =	sld [smem:$0x3FFE];
	[sflag:s23] =	ssyncadd.s32 $0xFFFFFFFF  }
0xa5: {  	s26 =	simm.s32 $execute0_lowered;
	[smem:$0x3FD2] =	sst s25  }
0xa6: {  	s5 =	sshll.u32 s26, $0x1;
	_ =	strace $0x80000046;
	[dreg:$0x1] =	wrdreg $0xFFFFFFFF  }
0xa7: {  	s28 =	simm.s32 $_size_execute0_lowered;
	s3 =	sadd.s32 s3, s5;
	[dreg:$0x0] =	wrdreg $0x0  }
0xa8: {  	s5 =	sshll.u32 s28, $0x1;
	[dreg:$0x2] =	wrdreg s3  }
0xa9: {  	[dreg:$0x3] =	wrdreg s5  }
0xaa: {  	[dreg:$0x4] =	wrdreg $0xC0  }
0xab: {  	_ =	task [dreg:s7], $0x5FFFF  }
0xac: {  	[dreg:$0x1] =	wrdreg $0xFFFFFFFF  }
0xad: {  	[dreg:$0x0] =	wrdreg $0x60  }
0xae: {  	[dreg:$0x2] =	wrdreg s2  }
0xaf: {  	[dreg:$0x3] =	wrdreg s24  }
0xb0: {  	[dreg:$0x4] =	wrdreg $0xA5000  }
0xb1: {  	[dreg:$0x5] =	wrdreg $0x9  }
0xb2: {  	_ =	task.clear_ibuf [dreg:s7], $0x6FFFF;
	_ =	strace $0x90000046  }
0xb3: {  	s29 =	simm.s32 $0x9;
	_ =	strace $0x80000048  }
0xb4: {  	_ =	swait.ge [sflag:s29], $0x1  }
0xb5: {  	[sflag:s29] =	ssyncadd.s32 $0xFFFFFFFF  }
0xb6: {  	_ =	strace $0x90000048  }
0xb7: {  	_ =	sfence  }
0xb8: {  	s30 =	sld [smem:$0x0];
	_ =	sdelay $0x2  }
0xb9: {  	s31 =	sshll.u32 s1, $0xD;
	s1 =	sshrl.u32 s1, $0x2  }
0xba: {  	s3 =	sand.u32 $0x4000, s31;
	s1 =	sadd.s32 s1, s30  }
0xbb: {  	s0 =	sor.u32 s3, s0;
	s1 =	sshll.u32 s1, $0x11  }
0xbc: {  	s0 =	sor.u32 s1, s0  }
0xbd: {  	s0 =	sadd.s32 $0x8F2B, s0  }
0xbe: {  	[sflag:s0] =	ssyncadd.remote.s32 $0x1  }
0xbf: {  	_ =	sfence.sel $0xFFFF  }
0xc0: {  	[dreg:$0x0] =	wrdreg $0xFFFFFFFF;
	(pc) =	sbr.abs _section_cstart, $3  }
0xc1: {  	[dreg:$0x1] =	wrdreg $0xFFFFFFFF  }
0xc2: {  	_ =	task.clear_ibuf [dreg:s7], $0x2FFFF;
	_ =	strace $0x9FFFFFFF  }
0xc3: {  	(tm) =	ssettm $0x7FFFFFFF  }
tec
execute0_lowered:
.L_overlay_start_1:
0x0: {  	(tag) =	ssettag $0x1  }
0x1: {  	s0 =	srdreg.scid  }
0x2: {  	s24 =	stileid.u32;
	s2 =	rddreg [dreg:$0x0]  }
0x3: {  	s5 =	rddreg [dreg:$0x1];
	s4 =	simm.s32 $0x0;
	s16 =	simm.s32 $0x2800  }
0x4: {  	s17 =	simm.s32 $0x3;
	s18 =	simm.s32 $0x1400;
	s19 =	simm.s32 $0x7D  }
0x5: {  	s20 =	simm.s32 $0x80;
	s21 =	simm.s32 $0x6680;
	s22 =	simm.s32 $0x1  }
0x6: {  	s23 =	simm.s32 $0x2;
	s28 =	simm.s32 $0x1380;
	s29 =	simm.s32 $0x2700  }
0x7: {  	s30 =	simm.s32 $0x2780;
	s1 =	sand.u32 $0x1, s0;
	s7 =	smul.u32 $0x2710, s24  }
0x8: {  	[smem:$0x7FF] =	sst s4;
	s9 =	smul.u32 $0x4E200, s24;
	s3 =	sshll.u32 s1, $0x4  }
0x9: {  	s8 =	smul.u32 $0x27100, s1;
	s1 =	ssub.s32 $0x2, s1;
	s3 =	sor.u32 s24, s3  }
0xa: {  	s26 =	sshrl.u32 s1, $0x1;
	s31 =	sshrl.u32 s9, $0x2;
	s24 =	simm.s32 $0x2600  }
0xb: {  	s6 =	smul.u32 $0x2800, s3;
	s3 =	rddreg [dreg:$0x2];
	_ =	strace $0x80000047  }
0xc: {  	s25 =	sadd.s32 s7, s8;
	s1 =	ssub.s32 s1, s26;
	s26 =	simm.s32 $0x2680  }
0xd: {  	s14 =	sadd.s32 s25, s5;
	s15 =	smax.u32 s1, $0x1;
	s6 =	sshrl.u32 s6, $0x3  }
0xe: {  	s25 =	simm.s32 $0x1300;
	s13 =	sadd.s32 s6, s5;
	s5 =	sadd.s32 s31, s3  }
0xf: {  	s14 =	sadd.s32 $0x15000, s14;
	s6 =	sadd.s32 $0x3E80, s5;
	s7 =	sadd.s32 $0x7D00, s5  }
0x10: {  	s8 =	sadd.s32 $0xBB80, s5;
	s9 =	sadd.s32 $0xFA00, s5;
	s10 =	sadd.s32 $0x1000, s13  }
0x11: {  	v0 =	vimm.f32 $0.0e+00;
	s11 =	sadd.s32 $0xB000, s13;
	s12 =	sadd.s32 $0x1280, s13;
	s13 =	sadd.s32 $0xB280, s13  }
.LBB2_1:
0x12: {  	s31 =	simm.s32 $0x0;
	s1 =	simm.s32 $0x200  }
.LBB2_2:
0x13: {  	p0 =	sne.s32 s1, $0xF800;
	[tilespmem:s31+$0x2870] =	vst v0  }
0x14: {  	[tilespmem:s31+$0x2800] =	vst v0  }
0x15: {  	[tilespmem:s31+$0x2810] =	vst v0  }
.Ltmp0:
0x16: {  	[tilespmem:s31+$0x2820] =	vst v0;
	(pc) =	sbr.rel @p0 .LBB2_2-.Ltmp0, $4  }
0x17: {  	[tilespmem:s31+$0x2830] =	vst v0  }
0x18: {  	[tilespmem:s31+$0x2840] =	vst v0  }
0x19: {  	[tilespmem:s31+$0x2850] =	vst v0  }
0x1a: {  	[tilespmem:s31+$0x2860] =	vst v0;
	s31 =	sshra.s32 s1, $0x2;
	s1 =	sadd.s32 $0x200, s1  }
0x1b: {  	[tilespmem:s31+$0x2870] =	vst v0  }
0x1c: {  	[tilespmem:s31+$0x2800] =	vst v0  }
0x1d: {  	[tilespmem:s31+$0x2810] =	vst v0  }
0x1e: {  	[tilespmem:s31+$0x2820] =	vst v0  }
0x1f: {  	[tilespmem:s31+$0x2830] =	vst v0  }
0x20: {  	[tilespmem:s31+$0x2840] =	vst v0  }
0x21: {  	[tilespmem:s31+$0x2850] =	vst v0  }
0x22: {  	[tilespmem:s31+$0x2860] =	vst v0  }
0x23: {  	[spmem:s5] =	stream.linear.scatter [tilespmem:s16], [sflag:$0x3], $0x3E80, $0x38;
	[tilespmem:$0x1DD80] =	vst v63  }
0x24: {  	_ =	swait.ge [sflag:s17], $0x3E80  }
0x25: {  	[sflag:s17] =	ssyncset.done $0x0  }
0x26: {  	[sflag:s17] =	ssyncadd.s32 $0xFFFFC180  }
0x27: {  	[spmem:s6] =	stream.linear.scatter [tilespmem:s16], [sflag:$0x3], $0x3E80, $0x38;
	[tilespmem:$0x1DD80] =	vst v63  }
0x28: {  	_ =	swait.ge [sflag:s17], $0x3E80  }
0x29: {  	[sflag:s17] =	ssyncset.done $0x0  }
0x2a: {  	[sflag:s17] =	ssyncadd.s32 $0xFFFFC180  }
0x2b: {  	[spmem:s7] =	stream.linear.scatter [tilespmem:s16], [sflag:$0x3], $0x3E80, $0x38;
	[tilespmem:$0x1DD80] =	vst v63  }
0x2c: {  	_ =	swait.ge [sflag:s17], $0x3E80  }
0x2d: {  	[sflag:s17] =	ssyncset.done $0x0  }
0x2e: {  	[sflag:s17] =	ssyncadd.s32 $0xFFFFC180  }
0x2f: {  	[spmem:s8] =	stream.linear.scatter [tilespmem:s16], [sflag:$0x3], $0x3E80, $0x38;
	[tilespmem:$0x1DD80] =	vst v63  }
0x30: {  	_ =	swait.ge [sflag:s17], $0x3E80  }
0x31: {  	[sflag:s17] =	ssyncset.done $0x0  }
0x32: {  	[sflag:s17] =	ssyncadd.s32 $0xFFFFC180  }
0x33: {  	[spmem:s9] =	stream.linear.scatter [tilespmem:s16], [sflag:$0x3], $0x3E80, $0x38;
	[tilespmem:$0x1DD80] =	vst v63  }
0x34: {  	_ =	swait.ge [sflag:s17], $0x3E80  }
0x35: {  	[sflag:s17] =	ssyncset.done $0x0  }
0x36: {  	s1 =	simm.s32 $0x0;
	[sflag:s17] =	ssyncadd.s32 $0xFFFFC180  }
0x37: {  	[tilespmem:s1], [sflag:$0x3] =	stream.linear.gather [hbm4b:s10+s1], $0x1400, $0x38;
	[tilespmem:$0x1DD80] =	vst v63  }
0x38: {  	_ =	swait.ge [sflag:s17], $0x1400  }
0x39: {  	[sflag:s17] =	ssyncset.done $0x0  }
0x3a: {  	[sflag:s17] =	ssyncadd.s32 $0xFFFFEC00  }
0x3b: {  	[tilespmem:s18], [sflag:$0x3] =	stream.linear.gather [hbm4b:s11+s1], $0x1400, $0x38;
	[tilespmem:$0x1DD80] =	vst v63  }
0x3c: {  	_ =	swait.ge [sflag:s17], $0x1400  }
0x3d: {  	[sflag:s17] =	ssyncset.done $0x0  }
0x3e: {  	[sflag:s17] =	ssyncadd.s32 $0xFFFFEC00  }
0x3f: {  	[tilespmem:s16], [sflag:$0x1] =	stream.indirect.gather [hbm4b:s2+s19], $0x80, s1, s19, $0xb8;
	[tilespmem:$0x1DD80] =	vst v63  }
0x40: {  	_ = 	snop  }
0x41: {  	[tilespmem:s21], [sflag:$0x2] =	stream.indirect.gather [hbm4b:s2+s19], $0x80, s20, s19, $0xb8;
	[tilespmem:$0x1DD80] =	vst v63  }
0x42: {  	[bflag:$0x0] =	sbarrier.arrive $0xFFFF  }
0x43: {  	_ =	swait.ge [sflag:s22], $0x3E80  }
0x44: {  	[sflag:s22] =	ssyncset.done $0x0  }
0x45: {  	s0 =	simm.s32 $0x1400;
	[sflag:s22] =	ssyncadd.s32 $0xFFFFC180  }
0x46: {  	[spmem:s3] =	stream.indirect.scatter.add.f32 [tilespmem:s16], [sflag:$0x3], $0x80, s0, s19, $0xb8;
	[tilespmem:$0x1DD80] =	vst v63  }
0x47: {  	_ =	swait.ge [sflag:s17], $0x3E80  }
0x48: {  	[sflag:s17] =	ssyncset.done $0x0  }
0x49: {  	s0 =	simm.s32 $0x100;
	[sflag:s17] =	ssyncadd.s32 $0xFFFFC180  }
0x4a: {  	[tilespmem:s16], [sflag:$0x1] =	stream.indirect.gather [hbm4b:s2+s19], $0x80, s0, s19, $0xb8;
	[tilespmem:$0x1DD80] =	vst v63  }
0x4b: {  	_ =	swait.ge [sflag:s23], $0x3E80  }
0x4c: {  	[sflag:s23] =	ssyncset.done $0x0  }
0x4d: {  	s0 =	simm.s32 $0x1480;
	[sflag:s23] =	ssyncadd.s32 $0xFFFFC180  }
0x4e: {  	[spmem:s3] =	stream.indirect.scatter.add.f32 [tilespmem:s21], [sflag:$0x3], $0x80, s0, s19, $0xb8;
	[tilespmem:$0x1DD80] =	vst v63  }
0x4f: {  	_ =	swait.ge [sflag:s17], $0x3E80  }
0x50: {  	[sflag:s17] =	ssyncset.done $0x0  }
0x51: {  	s31 =	simm.s32 $0x400;
	s1 =	simm.s32 $0x180;
	[sflag:s17] =	ssyncadd.s32 $0xFFFFC180  }
.LBB2_4:
0x52: {  	[tilespmem:s21], [sflag:$0x2] =	stream.indirect.gather [hbm4b:s2+s19], $0x80, s1, s19, $0xb8;
	[tilespmem:$0x1DD80] =	vst v63  }
0x53: {  	s1 =	smov.u32 s31  }
0x54: {  	p0 =	sne.s32 s31, $0x4400;
	s31 =	sadd.s32 $0x400, s31;
	_ =	swait.ge [sflag:s22], $0x3E80  }
0x55: {  	s1 =	sshra.s32 s1, $0x2;
	[sflag:s22] =	ssyncset.done $0x0  }
0x56: {  	s0 =	sadd.s32 $0x1400, s1;
	[sflag:s22] =	ssyncadd.s32 $0xFFFFC180  }
0x57: {  	[spmem:s3] =	stream.indirect.scatter.add.f32 [tilespmem:s16], [sflag:$0x3], $0x80, s0, s19, $0xb8;
	[tilespmem:$0x1DD80] =	vst v63  }
0x58: {  	_ =	swait.ge [sflag:s17], $0x3E80  }
0x59: {  	[sflag:s17] =	ssyncset.done $0x0  }
0x5a: {  	s0 =	sadd.s32 $0x100, s1;
	[sflag:s17] =	ssyncadd.s32 $0xFFFFC180  }
0x5b: {  	[tilespmem:s16], [sflag:$0x1] =	stream.indirect.gather [hbm4b:s2+s19], $0x80, s0, s19, $0xb8;
	[tilespmem:$0x1DD80] =	vst v63  }
0x5c: {  	_ =	swait.ge [sflag:s23], $0x3E80  }
0x5d: {  	[sflag:s23] =	ssyncset.done $0x0  }
.Ltmp1:
0x5e: {  	s0 =	sadd.s32 $0x1480, s1;
	[sflag:s23] =	ssyncadd.s32 $0xFFFFC180;
	(pc) =	sbr.rel @p0 .LBB2_4-.Ltmp1, $4  }
0x5f: {  	[spmem:s3] =	stream.indirect.scatter.add.f32 [tilespmem:s21], [sflag:$0x3], $0x80, s0, s19, $0xb8;
	[tilespmem:$0x1DD80] =	vst v63  }
0x60: {  	_ =	swait.ge [sflag:s17], $0x3E80  }
0x61: {  	[sflag:s17] =	ssyncset.done $0x0  }
0x62: {  	s1 =	sadd.s32 $0x180, s1;
	[sflag:s17] =	ssyncadd.s32 $0xFFFFC180  }
0x63: {  	[tilespmem:s21], [sflag:$0x2] =	stream.indirect.gather [hbm4b:s2+s19], $0x80, s1, s19, $0xb8;
	[tilespmem:$0x1DD80] =	vst v63  }
0x64: {  	_ =	swait.ge [sflag:s22], $0x3E80  }
0x65: {  	[sflag:s22] =	ssyncset.done $0x0  }
0x66: {  	[sflag:s22] =	ssyncadd.s32 $0xFFFFC180  }
0x67: {  	[spmem:s3] =	stream.indirect.scatter.add.f32 [tilespmem:s16], [sflag:$0x3], $0x80, s24, s19, $0xb8;
	[tilespmem:$0x1DD80] =	vst v63  }
0x68: {  	_ =	swait.ge [sflag:s17], $0x3E80  }
0x69: {  	[sflag:s17] =	ssyncset.done $0x0  }
0x6a: {  	[sflag:s17] =	ssyncadd.s32 $0xFFFFC180  }
0x6b: {  	[tilespmem:s16], [sflag:$0x1] =	stream.indirect.gather [hbm4b:s2+s19], $0x80, s25, s19, $0xb8;
	[tilespmem:$0x1DD80] =	vst v63  }
0x6c: {  	_ =	swait.ge [sflag:s23], $0x3E80  }
0x6d: {  	[sflag:s23] =	ssyncset.done $0x0  }
0x6e: {  	[sflag:s23] =	ssyncadd.s32 $0xFFFFC180  }
0x6f: {  	[spmem:s3] =	stream.indirect.scatter.add.f32 [tilespmem:s21], [sflag:$0x3], $0x80, s26, s19, $0xb8;
	[tilespmem:$0x1DD80] =	vst v63  }
0x70: {  	_ =	swait.ge [sflag:s17], $0x3E80  }
0x71: {  	[sflag:s17] =	ssyncset.done $0x0  }
0x72: {  	[sflag:s17] =	ssyncadd.s32 $0xFFFFC180  }
0x73: {  	[tilespmem:s21], [sflag:$0x2] =	stream.indirect.gather [hbm4b:s2+s19], $0x80, s28, s19, $0xb8;
	[tilespmem:$0x1DD80] =	vst v63  }
0x74: {  	_ =	swait.ge [sflag:s22], $0x3E80  }
0x75: {  	[sflag:s22] =	ssyncset.done $0x0  }
0x76: {  	[sflag:s22] =	ssyncadd.s32 $0xFFFFC180  }
0x77: {  	[spmem:s3] =	stream.indirect.scatter.add.f32 [tilespmem:s16], [sflag:$0x3], $0x80, s29, s19, $0xb8;
	[tilespmem:$0x1DD80] =	vst v63  }
0x78: {  	_ =	swait.ge [sflag:s17], $0x3E80  }
0x79: {  	[sflag:s17] =	ssyncset.done $0x0  }
0x7a: {  	[sflag:s17] =	ssyncadd.s32 $0xFFFFC180  }
0x7b: {  	[tilespmem:s16], [sflag:$0x1] =	stream.indirect.gather [hbm4b:s2+s19], $0x80, s28, s19, $0xb8;
	[tilespmem:$0x1DD80] =	vst v63  }
0x7c: {  	_ =	swait.ge [sflag:s23], $0x3E80  }
0x7d: {  	[sflag:s23] =	ssyncset.done $0x0  }
0x7e: {  	[sflag:s23] =	ssyncadd.s32 $0xFFFFC180  }
0x7f: {  	[spmem:s3] =	stream.indirect.scatter.add.f32 [tilespmem:s21], [sflag:$0x3], $0x80, s30, s19, $0xb8;
	[tilespmem:$0x1DD80] =	vst v63  }
0x80: {  	_ =	swait.ge [sflag:s17], $0x3E80  }
0x81: {  	[sflag:s17] =	ssyncset.done $0x0  }
0x82: {  	[sflag:s17] =	ssyncadd.s32 $0xFFFFC180  }
0x83: {  	[tilespmem:s21], [sflag:$0x2] =	stream.indirect.gather [hbm4b:s2+s19], $0x80, s28, s19, $0xb8;
	[tilespmem:$0x1DD80] =	vst v63  }
0x84: {  	_ =	swait.ge [sflag:s22], $0x3E80  }
0x85: {  	[sflag:s22] =	ssyncset.done $0x0  }
0x86: {  	[sflag:s22] =	ssyncadd.s32 $0xFFFFC180  }
0x87: {  	_ =	swait.ge [sflag:s23], $0x3E80  }
0x88: {  	[sflag:s23] =	ssyncset.done $0x0  }
0x89: {  	s0 =	simm.s32 $0x0;
	[sflag:s23] =	ssyncadd.s32 $0xFFFFC180  }
0x8a: {  	[tilespmem:s0], [sflag:$0x3] =	stream.linear.gather [hbm4b:s12+s0], $0x1400, $0x38;
	[tilespmem:$0x1DD80] =	vst v63  }
0x8b: {  	_ =	swait.ge [sflag:s17], $0x1400  }
0x8c: {  	[sflag:s17] =	ssyncset.done $0x0  }
0x8d: {  	[sflag:s17] =	ssyncadd.s32 $0xFFFFEC00  }
0x8e: {  	[tilespmem:s18], [sflag:$0x3] =	stream.linear.gather [hbm4b:s13+s0], $0x1400, $0x38;
	[tilespmem:$0x1DD80] =	vst v63  }
0x8f: {  	_ =	swait.ge [sflag:s17], $0x1400  }
0x90: {  	[sflag:s17] =	ssyncset.done $0x0  }
0x91: {  	[sflag:s17] =	ssyncadd.s32 $0xFFFFEC00  }
0x92: {  	[tilespmem:s16], [sflag:$0x1] =	stream.indirect.gather [hbm4b:s2+s19], $0x80, s0, s19, $0xb8;
	[tilespmem:$0x1DD80] =	vst v63  }
0x93: {  	_ = 	snop  }
0x94: {  	[tilespmem:s21], [sflag:$0x2] =	stream.indirect.gather [hbm4b:s2+s19], $0x80, s20, s19, $0xb8;
	[tilespmem:$0x1DD80] =	vst v63  }
0x95: {  	_ =	swait.ge [sflag:s22], $0x3E80  }
0x96: {  	[sflag:s22] =	ssyncset.done $0x0  }
0x97: {  	s1 =	simm.s32 $0x1400;
	[sflag:s22] =	ssyncadd.s32 $0xFFFFC180  }
0x98: {  	[spmem:s3] =	stream.indirect.scatter.add.f32 [tilespmem:s16], [sflag:$0x3], $0x80, s1, s19, $0xb8;
	[tilespmem:$0x1DD80] =	vst v63  }
0x99: {  	_ =	swait.ge [sflag:s17], $0x3E80  }
0x9a: {  	[sflag:s17] =	ssyncset.done $0x0  }
0x9b: {  	s1 =	simm.s32 $0x100;
	[sflag:s17] =	ssyncadd.s32 $0xFFFFC180  }
0x9c: {  	[tilespmem:s16], [sflag:$0x1] =	stream.indirect.gather [hbm4b:s2+s19], $0x80, s1, s19, $0xb8;
	[tilespmem:$0x1DD80] =	vst v63  }
0x9d: {  	_ =	swait.ge [sflag:s23], $0x3E80  }
0x9e: {  	[sflag:s23] =	ssyncset.done $0x0  }
0x9f: {  	s1 =	simm.s32 $0x1480;
	[sflag:s23] =	ssyncadd.s32 $0xFFFFC180  }
0xa0: {  	[spmem:s3] =	stream.indirect.scatter.add.f32 [tilespmem:s21], [sflag:$0x3], $0x80, s1, s19, $0xb8;
	[tilespmem:$0x1DD80] =	vst v63  }
0xa1: {  	_ =	swait.ge [sflag:s17], $0x3E80  }
0xa2: {  	[sflag:s17] =	ssyncset.done $0x0  }
0xa3: {  	s31 =	simm.s32 $0x400;
	s1 =	simm.s32 $0x180;
	[sflag:s17] =	ssyncadd.s32 $0xFFFFC180  }
.LBB2_6:
0xa4: {  	[tilespmem:s21], [sflag:$0x2] =	stream.indirect.gather [hbm4b:s2+s19], $0x80, s1, s19, $0xb8;
	[tilespmem:$0x1DD80] =	vst v63  }
0xa5: {  	s0 =	smov.u32 s31  }
0xa6: {  	p0 =	sne.s32 s31, $0x4400;
	s31 =	sadd.s32 $0x400, s31;
	_ =	swait.ge [sflag:s22], $0x3E80  }
0xa7: {  	s0 =	sshra.s32 s0, $0x2;
	[sflag:s22] =	ssyncset.done $0x0  }
0xa8: {  	s1 =	sadd.s32 $0x1400, s0;
	[sflag:s22] =	ssyncadd.s32 $0xFFFFC180  }
0xa9: {  	[spmem:s3] =	stream.indirect.scatter.add.f32 [tilespmem:s16], [sflag:$0x3], $0x80, s1, s19, $0xb8;
	[tilespmem:$0x1DD80] =	vst v63  }
0xaa: {  	_ =	swait.ge [sflag:s17], $0x3E80  }
0xab: {  	[sflag:s17] =	ssyncset.done $0x0  }
0xac: {  	s1 =	sadd.s32 $0x100, s0;
	[sflag:s17] =	ssyncadd.s32 $0xFFFFC180  }
0xad: {  	[tilespmem:s16], [sflag:$0x1] =	stream.indirect.gather [hbm4b:s2+s19], $0x80, s1, s19, $0xb8;
	[tilespmem:$0x1DD80] =	vst v63  }
0xae: {  	_ =	swait.ge [sflag:s23], $0x3E80  }
0xaf: {  	[sflag:s23] =	ssyncset.done $0x0  }
.Ltmp2:
0xb0: {  	s1 =	sadd.s32 $0x1480, s0;
	[sflag:s23] =	ssyncadd.s32 $0xFFFFC180;
	(pc) =	sbr.rel @p0 .LBB2_6-.Ltmp2, $4  }
0xb1: {  	[spmem:s3] =	stream.indirect.scatter.add.f32 [tilespmem:s21], [sflag:$0x3], $0x80, s1, s19, $0xb8;
	[tilespmem:$0x1DD80] =	vst v63  }
0xb2: {  	_ =	swait.ge [sflag:s17], $0x3E80  }
0xb3: {  	[sflag:s17] =	ssyncset.done $0x0  }
0xb4: {  	s1 =	sadd.s32 $0x180, s0;
	[sflag:s17] =	ssyncadd.s32 $0xFFFFC180  }
0xb5: {  	[tilespmem:s21], [sflag:$0x2] =	stream.indirect.gather [hbm4b:s2+s19], $0x80, s1, s19, $0xb8;
	[tilespmem:$0x1DD80] =	vst v63  }
0xb6: {  	_ =	swait.ge [sflag:s22], $0x3E80  }
0xb7: {  	[sflag:s22] =	ssyncset.done $0x0  }
0xb8: {  	[sflag:s22] =	ssyncadd.s32 $0xFFFFC180  }
0xb9: {  	[spmem:s3] =	stream.indirect.scatter.add.f32 [tilespmem:s16], [sflag:$0x3], $0x80, s24, s19, $0xb8;
	[tilespmem:$0x1DD80] =	vst v63  }
0xba: {  	_ =	swait.ge [sflag:s17], $0x3E80  }
0xbb: {  	[sflag:s17] =	ssyncset.done $0x0  }
0xbc: {  	[sflag:s17] =	ssyncadd.s32 $0xFFFFC180  }
0xbd: {  	[tilespmem:s16], [sflag:$0x1] =	stream.indirect.gather [hbm4b:s2+s19], $0x80, s25, s19, $0xb8;
	[tilespmem:$0x1DD80] =	vst v63  }
0xbe: {  	_ =	swait.ge [sflag:s23], $0x3E80  }
0xbf: {  	[sflag:s23] =	ssyncset.done $0x0  }
0xc0: {  	[sflag:s23] =	ssyncadd.s32 $0xFFFFC180  }
0xc1: {  	[spmem:s3] =	stream.indirect.scatter.add.f32 [tilespmem:s21], [sflag:$0x3], $0x80, s26, s19, $0xb8;
	[tilespmem:$0x1DD80] =	vst v63  }
0xc2: {  	_ =	swait.ge [sflag:s17], $0x3E80  }
0xc3: {  	[sflag:s17] =	ssyncset.done $0x0  }
0xc4: {  	[sflag:s17] =	ssyncadd.s32 $0xFFFFC180  }
0xc5: {  	[tilespmem:s21], [sflag:$0x2] =	stream.indirect.gather [hbm4b:s2+s19], $0x80, s28, s19, $0xb8;
	[tilespmem:$0x1DD80] =	vst v63  }
0xc6: {  	_ =	swait.ge [sflag:s22], $0x3E80  }
0xc7: {  	[sflag:s22] =	ssyncset.done $0x0  }
0xc8: {  	[sflag:s22] =	ssyncadd.s32 $0xFFFFC180  }
0xc9: {  	[spmem:s3] =	stream.indirect.scatter.add.f32 [tilespmem:s16], [sflag:$0x3], $0x80, s29, s19, $0xb8;
	[tilespmem:$0x1DD80] =	vst v63  }
0xca: {  	_ =	swait.ge [sflag:s17], $0x3E80  }
0xcb: {  	[sflag:s17] =	ssyncset.done $0x0  }
0xcc: {  	[sflag:s17] =	ssyncadd.s32 $0xFFFFC180  }
0xcd: {  	[tilespmem:s16], [sflag:$0x1] =	stream.indirect.gather [hbm4b:s2+s19], $0x80, s28, s19, $0xb8;
	[tilespmem:$0x1DD80] =	vst v63  }
0xce: {  	_ =	swait.ge [sflag:s23], $0x3E80  }
0xcf: {  	[sflag:s23] =	ssyncset.done $0x0  }
0xd0: {  	[sflag:s23] =	ssyncadd.s32 $0xFFFFC180  }
0xd1: {  	[spmem:s3] =	stream.indirect.scatter.add.f32 [tilespmem:s21], [sflag:$0x3], $0x80, s30, s19, $0xb8;
	[tilespmem:$0x1DD80] =	vst v63  }
0xd2: {  	_ =	swait.ge [sflag:s17], $0x3E80  }
0xd3: {  	[sflag:s17] =	ssyncset.done $0x0  }
0xd4: {  	[sflag:s17] =	ssyncadd.s32 $0xFFFFC180  }
0xd5: {  	[tilespmem:s21], [sflag:$0x2] =	stream.indirect.gather [hbm4b:s2+s19], $0x80, s28, s19, $0xb8;
	[tilespmem:$0x1DD80] =	vst v63  }
0xd6: {  	_ =	swait.ge [sflag:s22], $0x3E80  }
0xd7: {  	[sflag:s22] =	ssyncset.done $0x0  }
0xd8: {  	[sflag:s22] =	ssyncadd.s32 $0xFFFFC180  }
0xd9: {  	s0 =	stileid.u32;
	_ =	swait.ge [sflag:s23], $0x3E80  }
0xda: {  	s31 =	sshrl.u32 s5, $0x3;
	s4 =	sadd.s32 $0x1, s4;
	[sflag:s23] =	ssyncset.done $0x0  }
0xdb: {  	s0 =	sshll.u32 s0, $0x6;
	p0 =	sne.s32 s4, s15;
	[sflag:s23] =	ssyncadd.s32 $0xFFFFC180  }
.Ltmp3:
0xdc: {  	s0 =	sor.u32 $0x1C03, s0;
	[bflag:$0x0] =	sbarrier.arrive $0xFFFF;
	(pc) =	sbr.rel @p0 .LBB2_1-.Ltmp3, $4  }
0xdd: {  	[hbm:s14], [sflag:s0] =	dma.local [spmem:s31], $0x2710  }
0xde: {  	_ =	swait.ge [sflag:s17], $0x2710  }
0xdf: {  	[sflag:s17] =	ssyncset.done $0x0  }
0xe0: {  	[sflag:s17] =	ssyncadd.s32 $0xFFFFD8F0  }
0xe1: {  	_ =	sfence.sel $0x180000  }
0xe2: {  	[bflag:$0x0] =	sbarrier.arrive $0xFFFF  }
0xe3: {  	_ =	strace $0x90000047  }
0xe4: {  	s0 =	stileid.u32;
	[bflag:$0x2] =	sbarrier.arrive $0xFFFF  }
0xe5: {  	p0 =	sne.s32 s0, $0x0;
	s0 =	rddreg [dreg:$0x3]  }
0xe6: {  	s0 =	sadd.s32 @!p0 $0x100000, s0  }
0xe7: {  	[sflag:s0] =	ssyncadd.tile.s32 @!p0 $0x1;
	_ =	shalt  }
.Lfunc_end2:
_tile_overlayer_lowered:
.L_overlay_start_2:
0xe8: {  	(tag) =	ssettag $0x2  }
0xe9: {  	s0 =	rddreg [dreg:$0x0];
	s2 =	stileid.u32  }
0xea: {  	s1 =	rddreg [dreg:$0x1];
	p0 =	sne.s32 s2, $0x0  }
0xeb: {  	s3 =	rddreg [dreg:$0x2];
	[bflag:$0x3] =	sbarrier.arrive $0xFFFF;
	s2 =	simm.s32 @!p0 $0x1C03  }
0xec: {  	[timem:s3], [sflag:s2] =	dma.local @!p0 [hbm:s0], s1  }
0xed: {  	s0 =	simm.s32 @!p0 $0x3  }
0xee: {  	_ =	swait.ge @!p0 [sflag:s0], s1  }
0xef: {  	s1 =	ssub.s32 @!p0 $0x0, s1;
	[sflag:s0] =	ssyncset.done @!p0 $0x0  }
0xf0: {  	[sflag:s0] =	ssyncadd.s32 @!p0 s1  }
0xf1: {  	[bflag:$0x3] =	sbarrier.arrive $0xFFFF  }
0xf2: {  	_ =	shalt  }

// kernel: kernel.9.cloned.1.call-start
scs
__scs_entry_jumppad:
0x0: {  	(pc) =	sbr.rel $0x88, $3  }
0x1: {  	(tag) =	ssettag $0x0;
	lr =	simm.s32 $0x1  }
0x2: {  	[smem:$0x3F9C] =	sst lr;
	_ =	strace $0xD0000000  }
0x3: {  	_ = 	snop  }
0x4: {  	_ = 	snop  }
0x5: {  	_ = 	snop  }
0x6: {  	_ = 	snop  }
0x7: {  	_ = 	snop  }
__scs_overlays_trampoline_lowered:
0x8: {  	[smem:$0x3FAB] =	sst s0  }
0x9: {  	[smem:$0x3FAC] =	sst s1  }
0xa: {  	[smem:$0x3FAD] =	sst s2  }
0xb: {  	[smem:$0x3FAE] =	sst s3  }
0xc: {  	[smem:$0x3FAF] =	sst s4  }
0xd: {  	[smem:$0x3FB0] =	sst s5  }
0xe: {  	[smem:$0x3FB1] =	sst s6  }
0xf: {  	[smem:$0x3FB2] =	sst s7  }
0x10: {  	[smem:$0x3FB3] =	sst s8  }
0x11: {  	[smem:$0x3FB4] =	sst s9;
	s0 =	simm.s32 @!p0 $0x0  }
0x12: {  	s1 =	sld [smem:$0x3F9A];
	s0 =	simm.s32 @p0 $0x1  }
0x13: {  	[smem:$0x3FB5] =	sst s0;
	s0 =	simm.s32 @!p1 $0x0  }
0x14: {  	s2 =	sld [smem:$0x3F99];
	s0 =	simm.s32 @p1 $0x1  }
0x15: {  	[smem:$0x3FB6] =	sst s0;
	s0 =	simm.s32 @!p2 $0x0  }
0x16: {  	s3 =	sld [smem:$0x3FDB];
	s0 =	simm.s32 @p2 $0x1  }
0x17: {  	s4 =	simm.s32 $0x1BF5;
	[smem:$0x3FB8] =	sst s0  }
0x18: {  	s0 =	sld [smem:$0x3F9B];
	_ =	swait.ge [sflag:s4], $0x0  }
0x19: {  	s7 =	sld [smem:$0x3F9C]  }
0x1a: {  	s8 =	sadd.s32 $0xFFFFE003, lr  }
0x1b: {  	s9 =	sadd.s32 $0xFFFFFEF7, lr;
	s5 =	simm.s32 $0xFFFFFFFF;
	p2 =	slt.u32 s8, $0xFFFFF086  }
0x1c: {  	p1 =	slt.u32 s9, $0xF7A;
	s5 =	simm.s32 @!p2 $0x0  }
0x1d: {  	s5 =	simm.s32 @p1 $0x1;
	p0 =	seq.s32 s7, s2  }
0x1e: {  	s7 =	smul.u32 @!p0 $0xF7A, s2;
	p2 =	seq.s32 @!p0 s5, $0x0  }
0x1f: {  	s9 =	smul.u32 $0xF7A, s1;
	s8 =	simm.s32 @!p0 $0x1BF5;
	p2 =	por !p2, p0  }
0x20: {  	[sflag:s8] =	ssyncset.s32 @!p0 $0xFFFFF086;
	s6 =	sadd.s32 @!p0 s3, s7;
	s7 =	simm.s32 @!p0 $0x108  }
0x21: {  	s3 =	sadd.s32 s3, s9;
	s6 =	sadd.s32 @!p0 $0x88, s6;
	s7 =	simm.s32 @p2 $0x1082  }
0x22: {  	[simem:s7], [sflag:s8] =	dma.local @!p0 [hbm:s6], $0xF7A  }
0x23: {  	s9 =	sor.u32 $0xD0000000, s2;
	s6 =	simm.s32 $0x108;
	_ =	swait.ge @!p0 [sflag:s8], $0x0  }
0x24: {  	s3 =	sadd.s32 $0x88, s3;
	s6 =	simm.s32 @!p1 $0x1082;
	[sflag:s4] =	ssyncset.s32 $0xFFFFF086  }
0x25: {  	[simem:s6], [sflag:s4] =	dma.local [hbm:s3], $0xF7A  }
0x26: {  	[smem:$0x3F9C] =	sst s1;
	(tag) =	ssettag s2;
	_ =	strace s9  }
0x27: {  	s1 =	sld [smem:$0x3FAC]  }
0x28: {  	s2 =	sld [smem:$0x3FAD]  }
0x29: {  	s4 =	sld [smem:$0x3FAF]  }
0x2a: {  	p0 =	seq.s32 s5, $0x0;
	s5 =	sld [smem:$0x3FB0]  }
0x2b: {  	s6 =	sld [smem:$0x3FB1]  }
0x2c: {  	s7 =	sld [smem:$0x3FB2]  }
0x2d: {  	s3 =	simm.s32 $0x108;
	s8 =	sld [smem:$0x3FB3]  }
0x2e: {  	s3 =	simm.s32 @!p0 $0x1082;
	s9 =	sld [smem:$0x3FB4]  }
0x2f: {  	lr =	sadd.s32 s0, s3;
	s0 =	sld [smem:$0x3FAB]  }
0x30: {  	s3 =	sld [smem:$0x3FAE]  }
0x31: {  	[smem:$0x3FB7] =	sst s10  }
0x32: {  	s10 =	sld [smem:$0x3FB5];
	_ =	sdelay $0x3  }
0x33: {  	p0 =	seq.s32 s10, $0x1;
	s10 =	sld [smem:$0x3FB7];
	_ =	sdelay $0x3  }
0x34: {  	[smem:$0x3FB7] =	sst s10  }
0x35: {  	s10 =	sld [smem:$0x3FB6];
	_ =	sdelay $0x3  }
0x36: {  	p1 =	seq.s32 s10, $0x1;
	s10 =	sld [smem:$0x3FB7];
	_ =	sdelay $0x3  }
0x37: {  	[smem:$0x3FB7] =	sst s10  }
0x38: {  	s10 =	sld [smem:$0x3FB8]  }
0x39: {  	_ = 	snop;
	(pc) =	sbr.ind lr, $3  }
0x3a: {  	_ = 	snop  }
0x3b: {  	_ = 	snop  }
0x3c: {  	p2 =	seq.s32 s10, $0x1;
	s10 =	sld [smem:$0x3FB7]  }
0x3d: {  	_ =	shalt  }
0x3e: {  	_ =	shalt  }
0x3f: {  	_ =	shalt  }
0x40: {  	_ =	shalt  }
0x41: {  	_ =	shalt  }
0x42: {  	_ =	shalt  }
0x43: {  	_ =	shalt  }
0x44: {  	_ =	shalt  }
0x45: {  	_ =	shalt  }
0x46: {  	_ =	shalt  }
0x47: {  	_ =	shalt  }
0x48: {  	_ =	shalt  }
0x49: {  	_ =	shalt  }
0x4a: {  	_ =	shalt  }
0x4b: {  	_ =	shalt  }
0x4c: {  	_ =	shalt  }
0x4d: {  	_ =	shalt  }
0x4e: {  	_ =	shalt  }
0x4f: {  	_ =	shalt  }
0x50: {  	_ =	shalt  }
0x51: {  	_ =	shalt  }
0x52: {  	_ =	shalt  }
0x53: {  	_ =	shalt  }
0x54: {  	_ =	shalt  }
0x55: {  	_ =	shalt  }
0x56: {  	_ =	shalt  }
0x57: {  	_ =	shalt  }
0x58: {  	_ =	shalt  }
0x59: {  	_ =	shalt  }
0x5a: {  	_ =	shalt  }
0x5b: {  	_ =	shalt  }
0x5c: {  	_ =	shalt  }
0x5d: {  	_ =	shalt  }
0x5e: {  	_ =	shalt  }
0x5f: {  	_ =	shalt  }
0x60: {  	_ =	shalt  }
0x61: {  	_ =	shalt  }
0x62: {  	_ =	shalt  }
0x63: {  	_ =	shalt  }
0x64: {  	_ =	shalt  }
0x65: {  	_ =	shalt  }
0x66: {  	_ =	shalt  }
0x67: {  	_ =	shalt  }
0x68: {  	_ =	shalt  }
0x69: {  	_ =	shalt  }
0x6a: {  	_ =	shalt  }
0x6b: {  	_ =	shalt  }
0x6c: {  	_ =	shalt  }
0x6d: {  	_ =	shalt  }
0x6e: {  	_ =	shalt  }
0x6f: {  	_ =	shalt  }
0x70: {  	_ =	shalt  }
0x71: {  	_ =	shalt  }
0x72: {  	_ =	shalt  }
0x73: {  	_ =	shalt  }
0x74: {  	_ =	shalt  }
0x75: {  	_ =	shalt  }
0x76: {  	_ =	shalt  }
0x77: {  	_ =	shalt  }
0x78: {  	_ =	shalt  }
0x79: {  	_ =	shalt  }
0x7a: {  	_ =	shalt  }
0x7b: {  	_ =	shalt  }
0x7c: {  	_ =	shalt  }
0x7d: {  	_ =	shalt  }
0x7e: {  	_ =	shalt  }
0x7f: {  	_ =	shalt  }
0x80: {  	_ =	shalt  }
0x81: {  	_ =	shalt  }
0x82: {  	_ =	shalt  }
0x83: {  	_ =	shalt  }
0x84: {  	_ =	shalt  }
0x85: {  	_ =	shalt  }
0x86: {  	_ =	shalt  }
0x87: {  	_ =	shalt  }
.Lfunc_end0:
.L_simem_size_0:
called_computation.1_lowered:
.L_overlay_start_0:
0x88: {  	s2 =	sld [smem:$0x3FD9]  }
0x89: {  	s3 =	sld [smem:$0x3FFE];
	_ =	sdelay $0x1  }
0x8a: {  	s1 =	srdreg.scid  }
0x8b: {  	s0 =	sand.u32 $0x1, s1  }
0x8c: {  	s16 =	sshll.u32 s0, $0xA;
	s2 =	sadd.s32 s3, s2  }
0x8d: {  	s2 =	sadd.s32 s2, s16  }
0x8e: {  	[smem:$0x3FC3] =	sst s2  }
0x8f: {  	_ = 	snop  }
0x90: {  	(tm) =	ssettm $0x1  }
0x91: {  	s17 =	sld [smem:$0x3FFB];
	_ =	sdelay $0x3  }
0x92: {  	_ =	strace s17  }
0x93: {  	s2 =	sld [smem:$0x3FFC];
	_ =	sdelay $0x3  }
0x94: {  	_ =	strace s2  }
0x95: {  	s2 =	sld [smem:$0x3FFD];
	_ =	sdelay $0x3  }
0x96: {  	_ =	strace s2  }
0x97: {  	_ =	strace $0x8FFFFFFF  }
0x98: {  	s18 =	sld [smem:$0x3FDB];
	_ =	sdelay $0x1  }
0x99: {  	s19 =	simm.s32 $_scs_section_size  }
0x9a: {  	s4 =	simm.s32 $_size__tile_overlayer_lowered;
	s5 =	simm.s32 $_tile_overlayer_lowered  }
0x9b: {  	s22 =	simm.s32 $0x1BFF;
	s21 =	sshll.u32 s5, $0x1;
	s2 =	sadd.s32 s19, s18  }
0x9c: {  	s6 =	simm.s32 $0x0;
	s20 =	sshll.u32 s4, $0x1;
	s4 =	sadd.s32 s21, s2  }
0x9d: {  	[timem:s6], [sflag:s22] =	dma.local [hbm:s4], s20  }
0x9e: {  	_ =	swait.ge [sflag:s22], s20  }
0x9f: {  	s3 =	ssub.s32 $0x0, s20;
	[sflag:s22] =	ssyncset.done $0x0  }
0xa0: {  	[sflag:s22] =	ssyncadd.s32 s3;
	_ =	sdelay $0x1  }
0xa1: {  	s23 =	simm.s32 $0x1B8B  }
0xa2: {  	_ =	swait.ge [sflag:s23], $0x1  }
0xa3: {  	[sflag:s23] =	ssyncset.done $0x0  }
0xa4: {  	s25 =	simm.s32 $0x1B8E;
	s24 =	sld [smem:$0x3FFE];
	[sflag:s23] =	ssyncadd.s32 $0xFFFFFFFF  }
0xa5: {  	s26 =	simm.s32 $execute0_lowered;
	[smem:$0x3FD2] =	sst s25  }
0xa6: {  	s4 =	sshll.u32 s26, $0x1;
	_ =	strace $0x80000049;
	[dreg:$0x1] =	wrdreg $0xFFFFFFFF  }
0xa7: {  	s28 =	simm.s32 $_size_execute0_lowered;
	s2 =	sadd.s32 s2, s4;
	[dreg:$0x0] =	wrdreg $0x0  }
0xa8: {  	s4 =	sshll.u32 s28, $0x1;
	[dreg:$0x2] =	wrdreg s2  }
0xa9: {  	[dreg:$0x3] =	wrdreg s4  }
0xaa: {  	[dreg:$0x4] =	wrdreg $0xC0  }
0xab: {  	_ =	task [dreg:s6], $0x5FFFF  }
0xac: {  	[dreg:$0x1] =	wrdreg $0xFFFFFFFF  }
0xad: {  	[dreg:$0x0] =	wrdreg $0x60  }
0xae: {  	[dreg:$0x2] =	wrdreg s24  }
0xaf: {  	[dreg:$0x3] =	wrdreg $0xCD000  }
0xb0: {  	[dreg:$0x4] =	wrdreg $0x9  }
0xb1: {  	_ =	task.clear_ibuf [dreg:s6], $0x5FFFF;
	_ =	strace $0x90000049  }
0xb2: {  	s29 =	simm.s32 $0x9;
	_ =	strace $0x8000004B  }
0xb3: {  	_ =	swait.ge [sflag:s29], $0x1  }
0xb4: {  	[sflag:s29] =	ssyncadd.s32 $0xFFFFFFFF  }
0xb5: {  	_ =	strace $0x9000004B  }
0xb6: {  	_ =	sfence  }
0xb7: {  	s30 =	sld [smem:$0x0];
	_ =	sdelay $0x2  }
0xb8: {  	s31 =	sshll.u32 s1, $0xD;
	s1 =	sshrl.u32 s1, $0x2  }
0xb9: {  	s3 =	sand.u32 $0x4000, s31;
	s1 =	sadd.s32 s1, s30  }
0xba: {  	s0 =	sor.u32 s3, s0;
	s1 =	sshll.u32 s1, $0x11  }
0xbb: {  	s0 =	sor.u32 s1, s0  }
0xbc: {  	s0 =	sadd.s32 $0x8F2B, s0  }
0xbd: {  	[sflag:s0] =	ssyncadd.remote.s32 $0x1  }
0xbe: {  	_ =	sfence.sel $0xFFFF  }
0xbf: {  	[dreg:$0x0] =	wrdreg $0xFFFFFFFF;
	(pc) =	sbr.abs _section_cstart, $3  }
0xc0: {  	[dreg:$0x1] =	wrdreg $0xFFFFFFFF  }
0xc1: {  	_ =	task.clear_ibuf [dreg:s6], $0x2FFFF;
	_ =	strace $0x9FFFFFFF  }
0xc2: {  	(tm) =	ssettm $0x7FFFFFFF  }
0xc3: {  	_ =	shalt  }
tec
execute0_lowered:
.L_overlay_start_1:
0x0: {  	(tag) =	ssettag $0x1  }
0x1: {  	s0 =	srdreg.scid  }
0x2: {  	s1 =	rddreg [dreg:$0x0];
	s7 =	stileid.u32  }
0x3: {  	s2 =	rddreg [dreg:$0x1];
	s14 =	simm.s32 $0x5000;
	s15 =	simm.s32 $0x5  }
0x4: {  	s17 =	simm.s32 $0x7D;
	s19 =	simm.s32 $0x6F40;
	s21 =	simm.s32 $0x8E80  }
0x5: {  	s23 =	simm.s32 $0xADC0;
	s24 =	simm.s32 $0x1;
	s28 =	simm.s32 $0x4  }
0x6: {  	s20 =	simm.s32 $0x2780;
	s22 =	simm.s32 $0x4E00;
	s29 =	simm.s32 $0x4E80  }
0x7: {  	s30 =	simm.s32 $0x4F00;
	s0 =	sand.u32 $0x1, s0;
	s6 =	smul.u32 $0x1388, s7  }
0x8: {  	s31 =	simm.s32 $0x4F80;
	s3 =	sshll.u32 s0, $0x4;
	s8 =	smul.u32 $0x13880, s0  }
0x9: {  	s0 =	ssub.s32 $0x2, s0;
	s4 =	sor.u32 s7, s3;
	s7 =	smul.u32 $0x27100, s7  }
0xa: {  	s3 =	simm.s32 $0x0;
	s26 =	sshrl.u32 s0, $0x1;
	s5 =	smul.u32 $0x2800, s4  }
0xb: {  	[smem:$0x7FF] =	sst s3;
	s4 =	sadd.s32 $0x15000, s1;
	s6 =	sadd.s32 s6, s8  }
0xc: {  	s0 =	ssub.s32 s0, s26;
	s26 =	simm.s32 $0x3;
	_ =	strace $0x8000004A  }
0xd: {  	s25 =	sshrl.u32 s7, $0x2;
	s13 =	smax.u32 s0, $0x1;
	s5 =	sshrl.u32 s5, $0x3  }
0xe: {  	s0 =	simm.s32 $0x4D80;
	s11 =	sadd.s32 s5, s1;
	s5 =	sadd.s32 s25, s2  }
0xf: {  	s1 =	sadd.s32 s6, s1;
	s25 =	simm.s32 $0x2;
	s6 =	sadd.s32 $0x1F40, s5  }
0x10: {  	s7 =	sadd.s32 $0x3E80, s5;
	s8 =	sadd.s32 $0x5DC0, s5;
	s9 =	sadd.s32 $0x7D00, s5  }
0x11: {  	v0 =	vimm.f32 $0.0e+00;
	s10 =	sadd.s32 $0x1000, s11;
	s11 =	sadd.s32 $0xB000, s11;
	s12 =	sadd.s32 $0x28A00, s1  }
.LBB2_1:
0x12: {  	s16 =	simm.s32 $0x100;
	s1 =	simm.s32 $0x0  }
.LBB2_2:
0x13: {  	p0 =	sne.s32 s16, $0x7C00;
	[tilespmem:s1+$0x5030] =	vst v0;
	s18 =	smov.u32 s16;
	s16 =	sadd.s32 $0x100, s16  }
.Ltmp0:
0x14: {  	[tilespmem:s1+$0x5020] =	vst v0;
	(pc) =	sbr.rel @p0 .LBB2_2-.Ltmp0, $3  }
0x15: {  	[tilespmem:s1+$0x5000] =	vst v0  }
0x16: {  	[tilespmem:s1+$0x5010] =	vst v0;
	_ =	sdelay $0x1  }
0x17: {  	s1 =	sshra.s32 s18, $0x2  }
0x18: {  	[tilespmem:s1+$0x5030] =	vst v0  }
0x19: {  	[tilespmem:s1+$0x5020] =	vst v0  }
0x1a: {  	[tilespmem:s1+$0x5000] =	vst v0  }
0x1b: {  	[tilespmem:s1+$0x5010] =	vst v0  }
0x1c: {  	[spmem:s5] =	stream.linear.scatter [tilespmem:s14], [sflag:$0x5], $0x1F40, $0x38;
	[tilespmem:$0x16940] =	vst v63  }
0x1d: {  	_ =	swait.ge [sflag:s15], $0x1F40  }
0x1e: {  	[sflag:s15] =	ssyncset.done $0x0  }
0x1f: {  	[sflag:s15] =	ssyncadd.s32 $0xFFFFE0C0  }
0x20: {  	[spmem:s6] =	stream.linear.scatter [tilespmem:s14], [sflag:$0x5], $0x1F40, $0x38;
	[tilespmem:$0x16940] =	vst v63  }
0x21: {  	_ =	swait.ge [sflag:s15], $0x1F40  }
0x22: {  	[sflag:s15] =	ssyncset.done $0x0  }
0x23: {  	[sflag:s15] =	ssyncadd.s32 $0xFFFFE0C0  }
0x24: {  	[spmem:s7] =	stream.linear.scatter [tilespmem:s14], [sflag:$0x5], $0x1F40, $0x38;
	[tilespmem:$0x16940] =	vst v63  }
0x25: {  	_ =	swait.ge [sflag:s15], $0x1F40  }
0x26: {  	[sflag:s15] =	ssyncset.done $0x0  }
0x27: {  	[sflag:s15] =	ssyncadd.s32 $0xFFFFE0C0  }
0x28: {  	[spmem:s8] =	stream.linear.scatter [tilespmem:s14], [sflag:$0x5], $0x1F40, $0x38;
	[tilespmem:$0x16940] =	vst v63  }
0x29: {  	_ =	swait.ge [sflag:s15], $0x1F40  }
0x2a: {  	[sflag:s15] =	ssyncset.done $0x0  }
0x2b: {  	[sflag:s15] =	ssyncadd.s32 $0xFFFFE0C0  }
0x2c: {  	[spmem:s9] =	stream.linear.scatter [tilespmem:s14], [sflag:$0x5], $0x1F40, $0x38;
	[tilespmem:$0x16940] =	vst v63  }
0x2d: {  	_ =	swait.ge [sflag:s15], $0x1F40  }
0x2e: {  	[sflag:s15] =	ssyncset.done $0x0  }
0x2f: {  	s18 =	simm.s32 $0x0;
	[sflag:s15] =	ssyncadd.s32 $0xFFFFE0C0  }
0x30: {  	[tilespmem:s18], [sflag:$0x5] =	stream.linear.gather [hbm4b:s10+s18], $0x2800, $0x38;
	[tilespmem:$0x16940] =	vst v63  }
0x31: {  	_ =	swait.ge [sflag:s15], $0x2800  }
0x32: {  	[sflag:s15] =	ssyncset.done $0x0  }
0x33: {  	s16 =	simm.s32 $0x2800;
	[sflag:s15] =	ssyncadd.s32 $0xFFFFD800  }
0x34: {  	[tilespmem:s16], [sflag:$0x5] =	stream.linear.gather [hbm4b:s11+s18], $0x2800, $0x38;
	[tilespmem:$0x16940] =	vst v63  }
0x35: {  	_ =	swait.ge [sflag:s15], $0x2800  }
0x36: {  	[sflag:s15] =	ssyncset.done $0x0  }
0x37: {  	[sflag:s15] =	ssyncadd.s32 $0xFFFFD800  }
0x38: {  	[tilespmem:s14], [sflag:$0x1] =	stream.indirect.gather [hbm4b:s4+s17], $0x40, s18, s17, $0xb8;
	[tilespmem:$0x16940] =	vst v63  }
0x39: {  	s16 =	simm.s32 $0x80  }
0x3a: {  	[tilespmem:s19], [sflag:$0x2] =	stream.indirect.gather [hbm4b:s4+s17], $0x40, s16, s17, $0xb8;
	[tilespmem:$0x16940] =	vst v63  }
0x3b: {  	s18 =	simm.s32 $0x100  }
0x3c: {  	[tilespmem:s21], [sflag:$0x3] =	stream.indirect.gather [hbm4b:s4+s17], $0x40, s18, s17, $0xb8;
	[tilespmem:$0x16940] =	vst v63  }
0x3d: {  	s16 =	simm.s32 $0x180  }
0x3e: {  	[tilespmem:s23], [sflag:$0x4] =	stream.indirect.gather [hbm4b:s4+s17], $0x40, s16, s17, $0xb8;
	[tilespmem:$0x16940] =	vst v63  }
0x3f: {  	[bflag:$0x0] =	sbarrier.arrive $0xFFFF  }
0x40: {  	_ =	swait.ge [sflag:s24], $0x1F40  }
0x41: {  	[sflag:s24] =	ssyncset.done $0x0  }
0x42: {  	s18 =	simm.s32 $0x2800;
	[sflag:s24] =	ssyncadd.s32 $0xFFFFE0C0  }
0x43: {  	[spmem:s2] =	stream.indirect.scatter.add.f32 [tilespmem:s14], [sflag:$0x5], $0x40, s18, s17, $0xb8;
	[tilespmem:$0x16940] =	vst v63  }
0x44: {  	_ =	swait.ge [sflag:s15], $0x1F40  }
0x45: {  	[sflag:s15] =	ssyncset.done $0x0  }
0x46: {  	s16 =	simm.s32 $0x200;
	[sflag:s15] =	ssyncadd.s32 $0xFFFFE0C0  }
0x47: {  	[tilespmem:s14], [sflag:$0x1] =	stream.indirect.gather [hbm4b:s4+s17], $0x40, s16, s17, $0xb8;
	[tilespmem:$0x16940] =	vst v63  }
0x48: {  	_ =	swait.ge [sflag:s25], $0x1F40  }
0x49: {  	[sflag:s25] =	ssyncset.done $0x0  }
0x4a: {  	s18 =	simm.s32 $0x2880;
	[sflag:s25] =	ssyncadd.s32 $0xFFFFE0C0  }
0x4b: {  	[spmem:s2] =	stream.indirect.scatter.add.f32 [tilespmem:s19], [sflag:$0x5], $0x40, s18, s17, $0xb8;
	[tilespmem:$0x16940] =	vst v63  }
0x4c: {  	_ =	swait.ge [sflag:s15], $0x1F40  }
0x4d: {  	[sflag:s15] =	ssyncset.done $0x0  }
0x4e: {  	s16 =	simm.s32 $0x280;
	[sflag:s15] =	ssyncadd.s32 $0xFFFFE0C0  }
0x4f: {  	[tilespmem:s19], [sflag:$0x2] =	stream.indirect.gather [hbm4b:s4+s17], $0x40, s16, s17, $0xb8;
	[tilespmem:$0x16940] =	vst v63  }
0x50: {  	_ =	swait.ge [sflag:s26], $0x1F40  }
0x51: {  	[sflag:s26] =	ssyncset.done $0x0  }
0x52: {  	s18 =	simm.s32 $0x2900;
	[sflag:s26] =	ssyncadd.s32 $0xFFFFE0C0  }
0x53: {  	[spmem:s2] =	stream.indirect.scatter.add.f32 [tilespmem:s21], [sflag:$0x5], $0x40, s18, s17, $0xb8;
	[tilespmem:$0x16940] =	vst v63  }
0x54: {  	_ =	swait.ge [sflag:s15], $0x1F40  }
0x55: {  	[sflag:s15] =	ssyncset.done $0x0  }
0x56: {  	s16 =	simm.s32 $0x300;
	[sflag:s15] =	ssyncadd.s32 $0xFFFFE0C0  }
0x57: {  	[tilespmem:s21], [sflag:$0x3] =	stream.indirect.gather [hbm4b:s4+s17], $0x40, s16, s17, $0xb8;
	[tilespmem:$0x16940] =	vst v63  }
0x58: {  	_ =	swait.ge [sflag:s28], $0x1F40  }
0x59: {  	[sflag:s28] =	ssyncset.done $0x0  }
0x5a: {  	s18 =	simm.s32 $0x2980;
	[sflag:s28] =	ssyncadd.s32 $0xFFFFE0C0  }
0x5b: {  	[spmem:s2] =	stream.indirect.scatter.add.f32 [tilespmem:s23], [sflag:$0x5], $0x40, s18, s17, $0xb8;
	[tilespmem:$0x16940] =	vst v63  }
0x5c: {  	_ =	swait.ge [sflag:s15], $0x1F40  }
0x5d: {  	[sflag:s15] =	ssyncset.done $0x0  }
0x5e: {  	s1 =	simm.s32 $0x800;
	s16 =	simm.s32 $0x380;
	[sflag:s15] =	ssyncadd.s32 $0xFFFFE0C0  }
.LBB2_4:
0x5f: {  	[tilespmem:s23], [sflag:$0x4] =	stream.indirect.gather [hbm4b:s4+s17], $0x40, s16, s17, $0xb8;
	[tilespmem:$0x16940] =	vst v63  }
0x60: {  	s16 =	smov.u32 s1  }
0x61: {  	p0 =	sne.s32 s1, $0x8800;
	s1 =	sadd.s32 $0x800, s1;
	_ =	swait.ge [sflag:s24], $0x1F40  }
0x62: {  	s16 =	sshra.s32 s16, $0x2;
	[sflag:s24] =	ssyncset.done $0x0  }
0x63: {  	s18 =	sadd.s32 $0x2800, s16;
	[sflag:s24] =	ssyncadd.s32 $0xFFFFE0C0  }
0x64: {  	[spmem:s2] =	stream.indirect.scatter.add.f32 [tilespmem:s14], [sflag:$0x5], $0x40, s18, s17, $0xb8;
	[tilespmem:$0x16940] =	vst v63  }
0x65: {  	_ =	swait.ge [sflag:s15], $0x1F40  }
0x66: {  	[sflag:s15] =	ssyncset.done $0x0  }
0x67: {  	s18 =	sadd.s32 $0x200, s16;
	[sflag:s15] =	ssyncadd.s32 $0xFFFFE0C0  }
0x68: {  	[tilespmem:s14], [sflag:$0x1] =	stream.indirect.gather [hbm4b:s4+s17], $0x40, s18, s17, $0xb8;
	[tilespmem:$0x16940] =	vst v63  }
0x69: {  	_ =	swait.ge [sflag:s25], $0x1F40  }
0x6a: {  	[sflag:s25] =	ssyncset.done $0x0  }
0x6b: {  	s18 =	sadd.s32 $0x2880, s16;
	[sflag:s25] =	ssyncadd.s32 $0xFFFFE0C0  }
0x6c: {  	[spmem:s2] =	stream.indirect.scatter.add.f32 [tilespmem:s19], [sflag:$0x5], $0x40, s18, s17, $0xb8;
	[tilespmem:$0x16940] =	vst v63  }
0x6d: {  	_ =	swait.ge [sflag:s15], $0x1F40  }
0x6e: {  	[sflag:s15] =	ssyncset.done $0x0  }
0x6f: {  	s18 =	sadd.s32 $0x280, s16;
	[sflag:s15] =	ssyncadd.s32 $0xFFFFE0C0  }
0x70: {  	[tilespmem:s19], [sflag:$0x2] =	stream.indirect.gather [hbm4b:s4+s17], $0x40, s18, s17, $0xb8;
	[tilespmem:$0x16940] =	vst v63  }
0x71: {  	_ =	swait.ge [sflag:s26], $0x1F40  }
0x72: {  	[sflag:s26] =	ssyncset.done $0x0  }
0x73: {  	s18 =	sadd.s32 $0x2900, s16;
	[sflag:s26] =	ssyncadd.s32 $0xFFFFE0C0  }
0x74: {  	[spmem:s2] =	stream.indirect.scatter.add.f32 [tilespmem:s21], [sflag:$0x5], $0x40, s18, s17, $0xb8;
	[tilespmem:$0x16940] =	vst v63  }
0x75: {  	_ =	swait.ge [sflag:s15], $0x1F40  }
0x76: {  	[sflag:s15] =	ssyncset.done $0x0  }
0x77: {  	s18 =	sadd.s32 $0x300, s16;
	[sflag:s15] =	ssyncadd.s32 $0xFFFFE0C0  }
0x78: {  	[tilespmem:s21], [sflag:$0x3] =	stream.indirect.gather [hbm4b:s4+s17], $0x40, s18, s17, $0xb8;
	[tilespmem:$0x16940] =	vst v63  }
0x79: {  	_ =	swait.ge [sflag:s28], $0x1F40  }
0x7a: {  	[sflag:s28] =	ssyncset.done $0x0  }
.Ltmp1:
0x7b: {  	s18 =	sadd.s32 $0x2980, s16;
	[sflag:s28] =	ssyncadd.s32 $0xFFFFE0C0;
	(pc) =	sbr.rel @p0 .LBB2_4-.Ltmp1, $4  }
0x7c: {  	[spmem:s2] =	stream.indirect.scatter.add.f32 [tilespmem:s23], [sflag:$0x5], $0x40, s18, s17, $0xb8;
	[tilespmem:$0x16940] =	vst v63  }
0x7d: {  	_ =	swait.ge [sflag:s15], $0x1F40  }
0x7e: {  	[sflag:s15] =	ssyncset.done $0x0  }
0x7f: {  	s16 =	sadd.s32 $0x380, s16;
	[sflag:s15] =	ssyncadd.s32 $0xFFFFE0C0  }
0x80: {  	[tilespmem:s23], [sflag:$0x4] =	stream.indirect.gather [hbm4b:s4+s17], $0x40, s16, s17, $0xb8;
	[tilespmem:$0x16940] =	vst v63  }
0x81: {  	_ =	swait.ge [sflag:s24], $0x1F40  }
0x82: {  	[sflag:s24] =	ssyncset.done $0x0  }
0x83: {  	s1 =	simm.s32 $0x4C00;
	[sflag:s24] =	ssyncadd.s32 $0xFFFFE0C0  }
0x84: {  	[spmem:s2] =	stream.indirect.scatter.add.f32 [tilespmem:s14], [sflag:$0x5], $0x40, s1, s17, $0xb8;
	[tilespmem:$0x16940] =	vst v63  }
0x85: {  	_ =	swait.ge [sflag:s15], $0x1F40  }
0x86: {  	[sflag:s15] =	ssyncset.done $0x0  }
0x87: {  	s18 =	simm.s32 $0x2600;
	[sflag:s15] =	ssyncadd.s32 $0xFFFFE0C0  }
0x88: {  	[tilespmem:s14], [sflag:$0x1] =	stream.indirect.gather [hbm4b:s4+s17], $0x40, s18, s17, $0xb8;
	[tilespmem:$0x16940] =	vst v63  }
0x89: {  	_ =	swait.ge [sflag:s25], $0x1F40  }
0x8a: {  	[sflag:s25] =	ssyncset.done $0x0  }
0x8b: {  	s16 =	simm.s32 $0x4C80;
	[sflag:s25] =	ssyncadd.s32 $0xFFFFE0C0  }
0x8c: {  	[spmem:s2] =	stream.indirect.scatter.add.f32 [tilespmem:s19], [sflag:$0x5], $0x40, s16, s17, $0xb8;
	[tilespmem:$0x16940] =	vst v63  }
0x8d: {  	_ =	swait.ge [sflag:s15], $0x1F40  }
0x8e: {  	[sflag:s15] =	ssyncset.done $0x0  }
0x8f: {  	s18 =	simm.s32 $0x2680;
	[sflag:s15] =	ssyncadd.s32 $0xFFFFE0C0  }
0x90: {  	[tilespmem:s19], [sflag:$0x2] =	stream.indirect.gather [hbm4b:s4+s17], $0x40, s18, s17, $0xb8;
	[tilespmem:$0x16940] =	vst v63  }
0x91: {  	_ =	swait.ge [sflag:s26], $0x1F40  }
0x92: {  	[sflag:s26] =	ssyncset.done $0x0  }
0x93: {  	s16 =	simm.s32 $0x4D00;
	[sflag:s26] =	ssyncadd.s32 $0xFFFFE0C0  }
0x94: {  	[spmem:s2] =	stream.indirect.scatter.add.f32 [tilespmem:s21], [sflag:$0x5], $0x40, s16, s17, $0xb8;
	[tilespmem:$0x16940] =	vst v63  }
0x95: {  	_ =	swait.ge [sflag:s15], $0x1F40  }
0x96: {  	[sflag:s15] =	ssyncset.done $0x0  }
0x97: {  	s18 =	simm.s32 $0x2700;
	[sflag:s15] =	ssyncadd.s32 $0xFFFFE0C0  }
0x98: {  	[tilespmem:s21], [sflag:$0x3] =	stream.indirect.gather [hbm4b:s4+s17], $0x40, s18, s17, $0xb8;
	[tilespmem:$0x16940] =	vst v63  }
0x99: {  	_ =	swait.ge [sflag:s28], $0x1F40  }
0x9a: {  	[sflag:s28] =	ssyncset.done $0x0  }
0x9b: {  	[sflag:s28] =	ssyncadd.s32 $0xFFFFE0C0  }
0x9c: {  	[spmem:s2] =	stream.indirect.scatter.add.f32 [tilespmem:s23], [sflag:$0x5], $0x40, s0, s17, $0xb8;
	[tilespmem:$0x16940] =	vst v63  }
0x9d: {  	_ =	swait.ge [sflag:s15], $0x1F40  }
0x9e: {  	[sflag:s15] =	ssyncset.done $0x0  }
0x9f: {  	[sflag:s15] =	ssyncadd.s32 $0xFFFFE0C0  }
0xa0: {  	[tilespmem:s23], [sflag:$0x4] =	stream.indirect.gather [hbm4b:s4+s17], $0x40, s20, s17, $0xb8;
	[tilespmem:$0x16940] =	vst v63  }
0xa1: {  	_ =	swait.ge [sflag:s24], $0x1F40  }
0xa2: {  	[sflag:s24] =	ssyncset.done $0x0  }
0xa3: {  	[sflag:s24] =	ssyncadd.s32 $0xFFFFE0C0  }
0xa4: {  	[spmem:s2] =	stream.indirect.scatter.add.f32 [tilespmem:s14], [sflag:$0x5], $0x40, s22, s17, $0xb8;
	[tilespmem:$0x16940] =	vst v63  }
0xa5: {  	_ =	swait.ge [sflag:s15], $0x1F40  }
0xa6: {  	[sflag:s15] =	ssyncset.done $0x0  }
0xa7: {  	[sflag:s15] =	ssyncadd.s32 $0xFFFFE0C0  }
0xa8: {  	[tilespmem:s14], [sflag:$0x1] =	stream.indirect.gather [hbm4b:s4+s17], $0x40, s20, s17, $0xb8;
	[tilespmem:$0x16940] =	vst v63  }
0xa9: {  	_ =	swait.ge [sflag:s25], $0x1F40  }
0xaa: {  	[sflag:s25] =	ssyncset.done $0x0  }
0xab: {  	[sflag:s25] =	ssyncadd.s32 $0xFFFFE0C0  }
0xac: {  	[spmem:s2] =	stream.indirect.scatter.add.f32 [tilespmem:s19], [sflag:$0x5], $0x40, s29, s17, $0xb8;
	[tilespmem:$0x16940] =	vst v63  }
0xad: {  	_ =	swait.ge [sflag:s15], $0x1F40  }
0xae: {  	[sflag:s15] =	ssyncset.done $0x0  }
0xaf: {  	[sflag:s15] =	ssyncadd.s32 $0xFFFFE0C0  }
0xb0: {  	[tilespmem:s19], [sflag:$0x2] =	stream.indirect.gather [hbm4b:s4+s17], $0x40, s20, s17, $0xb8;
	[tilespmem:$0x16940] =	vst v63  }
0xb1: {  	_ =	swait.ge [sflag:s26], $0x1F40  }
0xb2: {  	[sflag:s26] =	ssyncset.done $0x0  }
0xb3: {  	[sflag:s26] =	ssyncadd.s32 $0xFFFFE0C0  }
0xb4: {  	[spmem:s2] =	stream.indirect.scatter.add.f32 [tilespmem:s21], [sflag:$0x5], $0x40, s30, s17, $0xb8;
	[tilespmem:$0x16940] =	vst v63  }
0xb5: {  	_ =	swait.ge [sflag:s15], $0x1F40  }
0xb6: {  	[sflag:s15] =	ssyncset.done $0x0  }
0xb7: {  	[sflag:s15] =	ssyncadd.s32 $0xFFFFE0C0  }
0xb8: {  	[tilespmem:s21], [sflag:$0x3] =	stream.indirect.gather [hbm4b:s4+s17], $0x40, s20, s17, $0xb8;
	[tilespmem:$0x16940] =	vst v63  }
0xb9: {  	_ =	swait.ge [sflag:s28], $0x1F40  }
0xba: {  	[sflag:s28] =	ssyncset.done $0x0  }
0xbb: {  	[sflag:s28] =	ssyncadd.s32 $0xFFFFE0C0  }
0xbc: {  	[spmem:s2] =	stream.indirect.scatter.add.f32 [tilespmem:s23], [sflag:$0x5], $0x40, s31, s17, $0xb8;
	[tilespmem:$0x16940] =	vst v63  }
0xbd: {  	_ =	swait.ge [sflag:s15], $0x1F40  }
0xbe: {  	[sflag:s15] =	ssyncset.done $0x0  }
0xbf: {  	[sflag:s15] =	ssyncadd.s32 $0xFFFFE0C0  }
0xc0: {  	[tilespmem:s23], [sflag:$0x4] =	stream.indirect.gather [hbm4b:s4+s17], $0x40, s20, s17, $0xb8;
	[tilespmem:$0x16940] =	vst v63  }
0xc1: {  	_ =	swait.ge [sflag:s24], $0x1F40  }
0xc2: {  	[sflag:s24] =	ssyncset.done $0x0  }
0xc3: {  	[sflag:s24] =	ssyncadd.s32 $0xFFFFE0C0  }
0xc4: {  	_ =	swait.ge [sflag:s25], $0x1F40  }
0xc5: {  	[sflag:s25] =	ssyncset.done $0x0  }
0xc6: {  	[sflag:s25] =	ssyncadd.s32 $0xFFFFE0C0  }
0xc7: {  	_ =	swait.ge [sflag:s26], $0x1F40  }
0xc8: {  	[sflag:s26] =	ssyncset.done $0x0  }
0xc9: {  	[sflag:s26] =	ssyncadd.s32 $0xFFFFE0C0  }
0xca: {  	s16 =	stileid.u32;
	_ =	swait.ge [sflag:s28], $0x1F40  }
0xcb: {  	s3 =	sadd.s32 $0x1, s3;
	s1 =	sshll.u32 s16, $0x6;
	[sflag:s28] =	ssyncset.done $0x0  }
0xcc: {  	p0 =	sne.s32 s3, s13;
	s1 =	sor.u32 $0x1C05, s1;
	[sflag:s28] =	ssyncadd.s32 $0xFFFFE0C0  }
.Ltmp2:
0xcd: {  	s18 =	sshrl.u32 s5, $0x3;
	[bflag:$0x0] =	sbarrier.arrive $0xFFFF;
	(pc) =	sbr.rel @p0 .LBB2_1-.Ltmp2, $4  }
0xce: {  	[hbm:s12], [sflag:s1] =	dma.local [spmem:s18], $0x1388  }
0xcf: {  	_ =	swait.ge [sflag:s15], $0x1388  }
0xd0: {  	[sflag:s15] =	ssyncset.done $0x0  }
0xd1: {  	[sflag:s15] =	ssyncadd.s32 $0xFFFFEC78  }
0xd2: {  	_ =	sfence.sel $0x180000  }
0xd3: {  	[bflag:$0x0] =	sbarrier.arrive $0xFFFF  }
0xd4: {  	_ =	strace $0x9000004A  }
0xd5: {  	s0 =	stileid.u32;
	[bflag:$0x2] =	sbarrier.arrive $0xFFFF  }
0xd6: {  	p0 =	sne.s32 s0, $0x0;
	s0 =	rddreg [dreg:$0x2]  }
0xd7: {  	s0 =	sadd.s32 @!p0 $0x100000, s0  }
0xd8: {  	[sflag:s0] =	ssyncadd.tile.s32 @!p0 $0x1;
	_ =	shalt  }
.Lfunc_end2:
_tile_overlayer_lowered:
.L_overlay_start_2:
0xd9: {  	(tag) =	ssettag $0x2  }
0xda: {  	s0 =	rddreg [dreg:$0x0];
	s2 =	stileid.u32  }
0xdb: {  	s1 =	rddreg [dreg:$0x1];
	p0 =	sne.s32 s2, $0x0  }
0xdc: {  	s3 =	rddreg [dreg:$0x2];
	[bflag:$0x3] =	sbarrier.arrive $0xFFFF;
	s2 =	simm.s32 @!p0 $0x1C05  }
0xdd: {  	[timem:s3], [sflag:s2] =	dma.local @!p0 [hbm:s0], s1  }
0xde: {  	s0 =	simm.s32 @!p0 $0x5  }
0xdf: {  	_ =	swait.ge @!p0 [sflag:s0], s1  }
0xe0: {  	s1 =	ssub.s32 @!p0 $0x0, s1;
	[sflag:s0] =	ssyncset.done @!p0 $0x0  }
0xe1: {  	[sflag:s0] =	ssyncadd.s32 @!p0 s1  }
0xe2: {  	[bflag:$0x3] =	sbarrier.arrive $0xFFFF  }
0xe3: {  	_ =	shalt  }

</sc_bundles>
